<compile_context>
chip_gen: v7x
topology: tpu7x:2x2x1
jax: 0.10.2.dev20260603
libtpu: 0.0.44.dev20260713+nightly
codegen_flags: <defaults>
</compile_context>

<pallas_src>
import functools

import jax
import jax.numpy as jnp
from jax import lax
from jax.experimental import pallas as pl
from jax.experimental.pallas import tpu as pltpu
from jax.experimental.pallas import tpu_sc as plsc

N = 10000
E = 320000
D_IN = 128
D_HID = 128
D_OUT = 16

NC = 2
NS = 16
L = 16
NW = NC * NS

K = 128
NCH = 80
EC = NCH * K
EP = NW * EC
NPAD = 10240
RT = NPAD // NS
ZR = 128

DEG_W = 16


@functools.cache
def _mesh():
    return plsc.VectorSubcoreMesh(
        core_axis_name="c", subcore_axis_name="s",
        num_cores=NC, num_subcores=NS)


def _zero_vmem_rows(buf, rows, width):
    def zrow(r, carry):
        for j in range(width // L):
            buf[r, pl.ds(j * L, L)] = jnp.zeros((L,), jnp.float32)
        return carry
    lax.fori_loop(0, rows, zrow, 0)


@functools.cache
def _make_edge_pass(D, CK, NB=2, e0_mode=False, stage_tab=False):
    NCHK = EC // CK
    assert NCHK % NB == 0
    scratch = [
        pltpu.VMEM((EC,), jnp.int32),
        pltpu.VMEM((NCHK, CK), jnp.int32),
        pltpu.VMEM_SHARED((NPAD, D), jnp.float32),
    ]
    scratch += [pltpu.VMEM((CK, D), jnp.float32) for _ in range(NB)]
    scratch += [pltpu.SemaphoreType.DMA for _ in range(NB)]
    if stage_tab:
        scratch.append(pltpu.VMEM_SHARED((NPAD, D), jnp.float32))

    @functools.partial(
        pl.kernel,
        out_type=jax.ShapeDtypeStruct((NC, NPAD, D), jnp.float32),
        mesh=_mesh(),
        compiler_params=pltpu.CompilerParams(use_tc_tiling_on_sc=False),
        scratch_types=scratch,
    )
    def kern(tab_hbm, src_hbm, dst_hbm, out_hbm, sidx, didx, acc, *rest):
        bufs = rest[:NB]
        sems = rest[NB:2 * NB]
        tab = rest[2 * NB] if stage_tab else tab_hbm
        cid = lax.axis_index("c")
        sid = lax.axis_index("s")
        wid = cid * NS + sid
        _zero_vmem_rows(bufs[-1], CK, D)
        r0 = sid * RT
        def zcp(i, carry):
            pltpu.sync_copy(bufs[-1], acc.at[pl.ds(r0 + i * CK, CK)])
            return carry
        lax.fori_loop(0, RT // CK, zcp, 0)
        pltpu.sync_copy(dst_hbm.at[wid], didx)
        if not e0_mode:
            pltpu.sync_copy(src_hbm.at[wid], sidx)
        if stage_tab:
            pltpu.sync_copy(tab_hbm.at[pl.ds(r0, RT)], tab.at[pl.ds(r0, RT)])
        plsc.subcore_barrier()
        if e0_mode:
            e0 = jnp.where(lax.iota(jnp.int32, L) == 0, 1.0, 0.0)
            def fill(r, carry):
                for j in range(D // L):
                    bufs[0][r, pl.ds(j * L, L)] = (
                        e0 if j == 0 else jnp.zeros((L,), jnp.float32))
                return carry
            lax.fori_loop(0, CK, fill, 0)
            FD = 8
            def sgrp(g, carry):
                for b in range(FD):
                    pltpu.async_copy(bufs[0], acc.at[didx.at[g * FD + b]],
                                     sems[0], add=True)
                for b in range(FD):
                    pltpu.make_async_copy(bufs[0], acc.at[didx.at[0]],
                                          sems[0]).wait()
                return carry
            lax.fori_loop(0, NCHK // FD, sgrp, 0)
        else:
            for b in range(NB):
                pltpu.async_copy(tab.at[sidx.at[pl.ds(b * CK, CK)]],
                                 bufs[b], sems[b])
            def grp(jg, carry):
                for b in range(NB):
                    j = jg * NB + b
                    pltpu.make_async_copy(tab_hbm.at[pl.ds(0, CK)], bufs[b],
                                          sems[b]).wait()
                    pltpu.sync_copy(bufs[b], acc.at[didx.at[j]], add=True)
                    @pl.when(j + NB < NCHK)
                    def _():
                        pltpu.async_copy(
                            tab.at[sidx.at[pl.ds((j + NB) * CK, CK)]],
                            bufs[b], sems[b])
                return carry
            lax.fori_loop(0, NCHK // NB, grp, 0)
        plsc.subcore_barrier()
        pltpu.sync_copy(acc.at[pl.ds(r0, RT)], out_hbm.at[cid, pl.ds(r0, RT)])
    return kern


def _dinv_from_deg(deg_blk):
    deg = deg_blk[0, :, 0] + deg_blk[1, :, 0] + 1.0
    return lax.rsqrt(deg)[:, None]


BM1 = 1024


def _tc1_body(x_ref, w_ref, deg_ref, o_ref):
    dinv = _dinv_from_deg(deg_ref[...])
    h = jnp.dot(x_ref[...], w_ref[...], preferred_element_type=jnp.float32)
    i = pl.program_id(0)
    row = i * BM1 + lax.broadcasted_iota(jnp.int32, (BM1, 1), 0)
    o_ref[...] = jnp.where(row < N, dinv * h, 0.0)


def _tc1(x, W1, degacc):
    return pl.pallas_call(
        _tc1_body,
        grid=(NPAD // BM1,),
        in_specs=[
            pl.BlockSpec((BM1, D_IN), lambda i: (i, 0)),
            pl.BlockSpec((D_IN, D_HID), lambda i: (0, 0)),
            pl.BlockSpec((NC, BM1, DEG_W), lambda i: (0, i, 0)),
        ],
        out_specs=pl.BlockSpec((BM1, D_HID), lambda i: (i, 0)),
        out_shape=jax.ShapeDtypeStruct((NPAD, D_HID), jnp.float32),
    )(x, W1, degacc)


def _tc2_body(acc_ref, h1p_ref, deg_ref, b1_ref, w2_ref, o_ref):
    dinv = _dinv_from_deg(deg_ref[...])
    s = acc_ref[0] + acc_ref[1] + h1p_ref[...]
    out1 = jnp.maximum(dinv * s + b1_ref[...], 0.0)
    h2 = jnp.dot(out1, w2_ref[...], preferred_element_type=jnp.float32)
    o_ref[...] = dinv * h2


def _tc2(acc1, h1p, degacc, b1, W2):
    return pl.pallas_call(
        _tc2_body,
        grid=(NPAD // BM1,),
        in_specs=[
            pl.BlockSpec((NC, BM1, D_HID), lambda i: (0, i, 0)),
            pl.BlockSpec((BM1, D_HID), lambda i: (i, 0)),
            pl.BlockSpec((NC, BM1, DEG_W), lambda i: (0, i, 0)),
            pl.BlockSpec((1, D_HID), lambda i: (0, 0)),
            pl.BlockSpec((D_HID, D_OUT), lambda i: (0, 0)),
        ],
        out_specs=pl.BlockSpec((BM1, D_OUT), lambda i: (i, 0)),
        out_shape=jax.ShapeDtypeStruct((NPAD, D_OUT), jnp.float32),
    )(acc1, h1p, degacc, b1, W2)


BM3 = 2000


def _tc3_body(acc_ref, h2p_ref, deg_ref, b2_ref, o_ref):
    dinv = _dinv_from_deg(deg_ref[...])
    s = acc_ref[0] + acc_ref[1] + h2p_ref[...]
    o_ref[...] = dinv * s + b2_ref[...]


def _tc3(acc2, h2p, degacc, b2):
    return pl.pallas_call(
        _tc3_body,
        grid=(N // BM3,),
        in_specs=[
            pl.BlockSpec((NC, BM3, D_OUT), lambda i: (0, i, 0)),
            pl.BlockSpec((BM3, D_OUT), lambda i: (i, 0)),
            pl.BlockSpec((NC, BM3, DEG_W), lambda i: (0, i, 0)),
            pl.BlockSpec((1, D_OUT), lambda i: (0, 0)),
        ],
        out_specs=pl.BlockSpec((BM3, D_OUT), lambda i: (i, 0)),
        out_shape=jax.ShapeDtypeStruct((N, D_OUT), jnp.float32),
    )(acc2, h2p, degacc, b2)


def kernel(x, edge_index, W1, b1, W2, b2):
    src = edge_index[0].astype(jnp.int32)
    dst = edge_index[1].astype(jnp.int32)
    pad = EP - E
    padv = (jnp.arange(pad, dtype=jnp.int32) % (NPAD - N)) + N
    src2 = jnp.concatenate([src, padv]).reshape(NW, EC)
    dstp = jnp.concatenate([dst, padv])
    dst_c40 = dstp.reshape(NW, EC // 40, 40)
    dst_c128 = dstp.reshape(NW, EC // 128, 128)
    dummy_tab = jnp.zeros((8, DEG_W), jnp.float32)

    degacc = _make_edge_pass(DEG_W, 128, 1, True)(dummy_tab, src2, dst_c128)
    h1p = _tc1(x, W1, degacc)
    acc1 = _make_edge_pass(D_HID, 40, 4)(h1p, src2, dst_c40)
    h2p = _tc2(acc1, h1p, degacc, b1.reshape(1, D_HID), W2)
    acc2 = _make_edge_pass(D_OUT, 128, 4, False, True)(h2p, src2, dst_c128)
    return _tc3(acc2, h2p, degacc, b2.reshape(1, D_OUT))

# --- scband reference (transcript-rebuilt; emitter-appended) ---
"""Pipeline reference for scband-gcn-30227979829928 (READ-ONLY COPY).

The authoritative reference and input builder live on the scoring server;
editing this copy changes nothing except your own understanding.
"""

import jax, jax.numpy as jnp
import numpy as np

N = 10000
E = 320000
D_IN = 128
D_HID = 128
D_OUT = 16


def setup_inputs(seed: int = 0) -> dict:
    key = jax.random.key(seed)
    ks = jax.random.split(key, 6)
    x = jax.random.normal(ks[0], (N, D_IN), dtype=jnp.float32)
    edge_index = jax.random.randint(ks[1], (2, E), 0, N, dtype=jnp.int32)
    W1 = jax.random.normal(ks[2], (D_IN, D_HID), dtype=jnp.float32) * (1.0 / np.sqrt(D_IN))
    b1 = jnp.zeros((D_HID,), dtype=jnp.float32)
    W2 = jax.random.normal(ks[3], (D_HID, D_OUT), dtype=jnp.float32) * (1.0 / np.sqrt(D_HID))
    b2 = jnp.zeros((D_OUT,), dtype=jnp.float32)
    return {"x": x, "edge_index": edge_index, "W1": W1, "b1": b1, "W2": W2, "b2": b2}


def _gcn_conv(x, edge_index, W, b):
    num_nodes = x.shape[0]
    loop = jnp.arange(num_nodes, dtype=edge_index.dtype)
    src = jnp.concatenate([edge_index[0], loop])
    dst = jnp.concatenate([edge_index[1], loop])
    # symmetric normalization with self-loops: D^{-1/2} (A+I) D^{-1/2}
    deg = jnp.zeros((num_nodes,), dtype=x.dtype).at[dst].add(1.0)
    dinv = jnp.where(deg > 0, jax.lax.rsqrt(deg), 0.0)
    norm = dinv[src] * dinv[dst]
    h = x @ W
    msg = h[src] * norm[:, None]
    out = jax.ops.segment_sum(msg, dst, num_segments=num_nodes)
    return out + b


def reference(x, edge_index, W1, b1, W2, b2):
    h = _gcn_conv(x, edge_index, W1, b1)
    h = jax.nn.relu(h)
    # F.dropout(p=0.5, training=self.training): identity in eval / deterministic reference
    out = _gcn_conv(h, edge_index, W2, b2)
    return out

if __name__ == "__main__":
    import jax
    _d = setup_inputs()
    print(jax.jit(kernel)(*tuple(_d.values())))

</pallas_src>

<mosaic_0001>
#map = affine_map<(d0, d1) -> (0, 0)>
#map1 = affine_map<(d0, d1) -> (0, 0, 0)>
module attributes {stable_mosaic.version = 14 : i64} {
  func.func @kern(%arg0: i32, %arg1: i32, %arg2: memref<8x16xf32, #tpu.memory_space<hbm>>, %arg3: memref<32x10240xi32, #tpu.memory_space<hbm>>, %arg4: memref<32x80x128xi32, #tpu.memory_space<hbm>>, %arg5: memref<2x10240x16xf32, #tpu.memory_space<hbm>>, %arg6: memref<10240xi32, #tpu.memory_space<vmem>>, %arg7: memref<80x128xi32, #tpu.memory_space<vmem>>, %arg8: memref<10240x16xf32, #tpu.memory_space<vmem_shared>>, %arg9: memref<128x16xf32, #tpu.memory_space<vmem>>, %arg10: memref<!tpu.dma_semaphore, #tpu.memory_space<semaphore_mem>>) attributes {dimension_semantics = [#tpu.dimension_semantics<core_parallel>, #tpu.dimension_semantics<subcore_parallel>], iteration_bounds = array<i64: 2, 16>, scalar_prefetch = 0 : i64, scratch_operands = 5 : i64, tpu.core_type = #tpu.core_type<sc_vector_subcore>, window_params = [{transform_indices = #map}, {transform_indices = #map}, {transform_indices = #map1}, {transform_indices = #map1}]} {
    %mul3A = arith.constant 16 : i32
    %mul3A_0 = arith.muli %arg0, %mul3A : i32
    %add3A = arith.addi %mul3A_0, %arg1 : i32
    %scan3A = arith.constant 0 : i32
    %scan3A_1 = arith.constant 0 : i32
    %scan3A_2 = arith.constant 128 : i32
    %scan3A_3 = arith.addi %scan3A_1, %scan3A_2 : i32
    %scan3A_4 = arith.constant 1 : i32
    scf.for %scan3A_31 = %scan3A_1 to %scan3A_3 step %scan3A_4  : i32 {
      %broadcast_in_dim3A_32 = arith.constant 0.000000e+00 : f32
      %broadcast_in_dim3A_33 = vector.broadcast %broadcast_in_dim3A_32 : f32 to vector<16xf32>
      %swap3A = arith.index_cast %scan3A_31 : i32 to index
      %swap3A_34 = arith.constant 0 : index
      %swap3A_35 = tpu.vector_load %arg9[%swap3A, %swap3A_34] {strides = array<i32>} : memref<128x16xf32, #tpu.memory_space<vmem>>, vector<1x16xf32>,
      %swap3A_36 = vector.shape_cast %swap3A_35 : vector<1x16xf32> to vector<16xf32>
      %swap3A_37 = vector.shape_cast %broadcast_in_dim3A_33 : vector<16xf32> to vector<1x16xf32>
      tpu.vector_store %arg9[%swap3A, %swap3A_34], %swap3A_37 {strides = array<i32>} : memref<128x16xf32, #tpu.memory_space<vmem>>, vector<1x16xf32>,
    }
    %scan3A_5 = arith.constant 128 : i32
    %mul3A_6 = arith.constant 640 : i32
    %mul3A_7 = arith.muli %arg1, %mul3A_6 : i32
    %scan3A_8 = arith.constant 0 : i32
    %scan3A_9 = arith.constant 0 : i32
    %scan3A_10 = arith.constant 5 : i32
    %scan3A_11 = arith.addi %scan3A_9, %scan3A_10 : i32
    %scan3A_12 = arith.constant 1 : i32
    scf.for %scan3A_31 = %scan3A_9 to %scan3A_11 step %scan3A_12  : i32 {
      %mul3A_32 = arith.constant 128 : i32
      %mul3A_33 = arith.muli %scan3A_31, %mul3A_32 : i32
      %add3A_34 = arith.addi %mul3A_7, %mul3A_33 : i32
      "tpu.region"() ({
        %run_scoped3A = tpu.sem_alloc : memref<!tpu.dma_semaphore, #tpu.memory_space<semaphore_mem>>
        %dma_start3A = arith.constant 0 : i32
        %dma_start3A_35 = tpu.memref_slice %arg8[%add3A_34, %dma_start3A] : memref<10240x16xf32, #tpu.memory_space<vmem_shared>> -> memref<128x16xf32, #tpu.memory_space<vmem_shared>>
        %dma_start3A_36 = arith.constant 0 : i32
        %dma_start3A_37 = tpu.memref_slice %arg8[%add3A_34, %dma_start3A_36] : memref<10240x16xf32, #tpu.memory_space<vmem_shared>> -> memref<128x16xf32, #tpu.memory_space<vmem_shared>>
        tpu.enqueue_dma source(%arg9 : memref<128x16xf32, #tpu.memory_space<vmem>>) target(%dma_start3A_37 : memref<128x16xf32, #tpu.memory_space<vmem_shared>>) target_semaphore(%run_scoped3A : memref<!tpu.dma_semaphore, #tpu.memory_space<semaphore_mem>>)
        %dma_wait3A = arith.constant 0 : i32
        %dma_wait3A_38 = tpu.memref_slice %arg8[%add3A_34, %dma_wait3A] : memref<10240x16xf32, #tpu.memory_space<vmem_shared>> -> memref<128x16xf32, #tpu.memory_space<vmem_shared>>
        %dma_wait3A_39 = arith.constant 0 : i32
        %dma_wait3A_40 = tpu.memref_slice %arg8[%add3A_34, %dma_wait3A_39] : memref<10240x16xf32, #tpu.memory_space<vmem_shared>> -> memref<128x16xf32, #tpu.memory_space<vmem_shared>>
        tpu.wait_dma2 semaphore(%run_scoped3A : memref<!tpu.dma_semaphore, #tpu.memory_space<semaphore_mem>>) src(%arg9 : memref<128x16xf32, #tpu.memory_space<vmem>>) dst(%dma_wait3A_40 : memref<128x16xf32, #tpu.memory_space<vmem_shared>>)
        tpu.yield
      }) : () -> ()
    }
    %scan3A_13 = arith.constant 5 : i32
    "tpu.region"() ({
      %run_scoped3A = tpu.sem_alloc : memref<!tpu.dma_semaphore, #tpu.memory_space<semaphore_mem>>
      %dma_start3A = arith.constant 0 : i32
      %dma_start3A_31 = arith.constant 0 : i32
      %dma_start3A_32 = tpu.memref_slice %arg4[%add3A, %dma_start3A, %dma_start3A_31] : memref<32x80x128xi32, #tpu.memory_space<hbm>> -> memref<1x80x128xi32, #tpu.memory_space<hbm>>
      %dma_start3A_33 = tpu.memref_squeeze %dma_start3A_32 : memref<1x80x128xi32, #tpu.memory_space<hbm>> -> memref<80x128xi32, #tpu.memory_space<hbm>>
      %dma_start3A_34 = arith.constant 0 : i32
      %dma_start3A_35 = arith.constant 0 : i32
      %dma_start3A_36 = tpu.memref_slice %arg4[%add3A, %dma_start3A_34, %dma_start3A_35] : memref<32x80x128xi32, #tpu.memory_space<hbm>> -> memref<1x80x128xi32, #tpu.memory_space<hbm>>
      %dma_start3A_37 = tpu.memref_squeeze %dma_start3A_36 : memref<1x80x128xi32, #tpu.memory_space<hbm>> -> memref<80x128xi32, #tpu.memory_space<hbm>>
      tpu.enqueue_dma source(%dma_start3A_37 : memref<80x128xi32, #tpu.memory_space<hbm>>) target(%arg7 : memref<80x128xi32, #tpu.memory_space<vmem>>) target_semaphore(%run_scoped3A : memref<!tpu.dma_semaphore, #tpu.memory_space<semaphore_mem>>)
      %dma_wait3A = arith.constant 0 : i32
      %dma_wait3A_38 = arith.constant 0 : i32
      %dma_wait3A_39 = tpu.memref_slice %arg4[%add3A, %dma_wait3A, %dma_wait3A_38] : memref<32x80x128xi32, #tpu.memory_space<hbm>> -> memref<1x80x128xi32, #tpu.memory_space<hbm>>
      %dma_wait3A_40 = tpu.memref_squeeze %dma_wait3A_39 : memref<1x80x128xi32, #tpu.memory_space<hbm>> -> memref<80x128xi32, #tpu.memory_space<hbm>>
      %dma_wait3A_41 = arith.constant 0 : i32
      %dma_wait3A_42 = arith.constant 0 : i32
      %dma_wait3A_43 = tpu.memref_slice %arg4[%add3A, %dma_wait3A_41, %dma_wait3A_42] : memref<32x80x128xi32, #tpu.memory_space<hbm>> -> memref<1x80x128xi32, #tpu.memory_space<hbm>>
      %dma_wait3A_44 = tpu.memref_squeeze %dma_wait3A_43 : memref<1x80x128xi32, #tpu.memory_space<hbm>> -> memref<80x128xi32, #tpu.memory_space<hbm>>
      tpu.wait_dma2 semaphore(%run_scoped3A : memref<!tpu.dma_semaphore, #tpu.memory_space<semaphore_mem>>) src(%dma_wait3A_44 : memref<80x128xi32, #tpu.memory_space<hbm>>) dst(%arg7 : memref<80x128xi32, #tpu.memory_space<vmem>>)
      tpu.yield
    }) : () -> ()
    %barrier3A = arith.constant 0 : index
    tpu.barrier barrier_id(%barrier3A)
    %iota3A = tpu.iota {dimensions = array<i32: 0>} : vector<16xi32>
    %eq3A = arith.constant 0 : i32
    %eq3A_14 = vector.broadcast %eq3A : i32 to vector<16xi32>
    %eq3A_15 = arith.cmpi eq, %iota3A, %eq3A_14 : vector<16xi32>
    %jit3A = arith.constant 1.000000e+00 : f32
    %jit3A_16 = arith.constant 0.000000e+00 : f32
    %broadcast_in_dim3A = vector.broadcast %jit3A : f32 to vector<16xf32>
    %broadcast_in_dim3A_17 = vector.broadcast %jit3A_16 : f32 to vector<16xf32>
    %select_n3A = arith.select %eq3A_15, %broadcast_in_dim3A, %broadcast_in_dim3A_17 : vector<16xi1>, vector<16xf32>
    %scan3A_18 = arith.constant 0 : i32
    %scan3A_19 = arith.constant 0 : i32
    %scan3A_20 = arith.constant 128 : i32
    %scan3A_21 = arith.addi %scan3A_19, %scan3A_20 : i32
    %scan3A_22 = arith.constant 1 : i32
    scf.for %scan3A_31 = %scan3A_19 to %scan3A_21 step %scan3A_22  : i32 {
      %swap3A = arith.index_cast %scan3A_31 : i32 to index
      %swap3A_32 = arith.constant 0 : index
      %swap3A_33 = tpu.vector_load %arg9[%swap3A, %swap3A_32] {strides = array<i32>} : memref<128x16xf32, #tpu.memory_space<vmem>>, vector<1x16xf32>,
      %swap3A_34 = vector.shape_cast %swap3A_33 : vector<1x16xf32> to vector<16xf32>
      %swap3A_35 = vector.shape_cast %select_n3A : vector<16xf32> to vector<1x16xf32>
      tpu.vector_store %arg9[%swap3A, %swap3A_32], %swap3A_35 {strides = array<i32>} : memref<128x16xf32, #tpu.memory_space<vmem>>, vector<1x16xf32>,
    }
    %scan3A_23 = arith.constant 128 : i32
    %scan3A_24 = arith.constant 0 : i32
    %scan3A_25 = arith.constant 0 : i32
    %scan3A_26 = arith.constant 10 : i32
    %scan3A_27 = arith.addi %scan3A_25, %scan3A_26 : i32
    %scan3A_28 = arith.constant 1 : i32
    scf.for %scan3A_31 = %scan3A_25 to %scan3A_27 step %scan3A_28  : i32 {
      %mul3A_32 = arith.constant 8 : i32
      %mul3A_33 = arith.muli %scan3A_31, %mul3A_32 : i32
      %add3A_34 = arith.constant 0 : i32
      %add3A_35 = arith.addi %mul3A_33, %add3A_34 : i32
      %dma_start3A = arith.constant 0 : i32
      %dma_start3A_36 = tpu.memref_slice %arg7[%add3A_35, %dma_start3A] : memref<80x128xi32, #tpu.memory_space<vmem>> -> memref<1x128xi32, #tpu.memory_space<vmem>>
      %dma_start3A_37 = tpu.memref_squeeze %dma_start3A_36 : memref<1x128xi32, #tpu.memory_space<vmem>> -> memref<128xi32, #tpu.memory_space<vmem>>
      %dma_start3A_38 = arith.constant 0 : i32
      %dma_start3A_39 = arith.constant 0 : i32
      %dma_start3A_40 = tpu.memref_slice %arg8[%dma_start3A_38, %dma_start3A_39] : memref<10240x16xf32, #tpu.memory_space<vmem_shared>> -> memref<10240x16xf32, #tpu.memory_space<vmem_shared>>
      tpu.enqueue_indirect_dma source(%arg9 : memref<128x16xf32, #tpu.memory_space<vmem>>) target(%dma_start3A_40 : memref<10240x16xf32, #tpu.memory_space<vmem_shared>>) offsets(%dma_start3A_37 : memref<128xi32, #tpu.memory_space<vmem>>) semaphore(%arg10 : memref<!tpu.dma_semaphore, #tpu.memory_space<semaphore_mem>>) {add = true}
      %mul3A_41 = arith.constant 8 : i32
      %mul3A_42 = arith.muli %scan3A_31, %mul3A_41 : i32
      %add3A_43 = arith.constant 1 : i32
      %add3A_44 = arith.addi %mul3A_42, %add3A_43 : i32
      %dma_start3A_45 = arith.constant 0 : i32
      %dma_start3A_46 = tpu.memref_slice %arg7[%add3A_44, %dma_start3A_45] : memref<80x128xi32, #tpu.memory_space<vmem>> -> memref<1x128xi32, #tpu.memory_space<vmem>>
      %dma_start3A_47 = tpu.memref_squeeze %dma_start3A_46 : memref<1x128xi32, #tpu.memory_space<vmem>> -> memref<128xi32, #tpu.memory_space<vmem>>
      %dma_start3A_48 = arith.constant 0 : i32
      %dma_start3A_49 = arith.constant 0 : i32
      %dma_start3A_50 = tpu.memref_slice %arg8[%dma_start3A_48, %dma_start3A_49] : memref<10240x16xf32, #tpu.memory_space<vmem_shared>> -> memref<10240x16xf32, #tpu.memory_space<vmem_shared>>
      tpu.enqueue_indirect_dma source(%arg9 : memref<128x16xf32, #tpu.memory_space<vmem>>) target(%dma_start3A_50 : memref<10240x16xf32, #tpu.memory_space<vmem_shared>>) offsets(%dma_start3A_47 : memref<128xi32, #tpu.memory_space<vmem>>) semaphore(%arg10 : memref<!tpu.dma_semaphore, #tpu.memory_space<semaphore_mem>>) {add = true}
      %mul3A_51 = arith.constant 8 : i32
      %mul3A_52 = arith.muli %scan3A_31, %mul3A_51 : i32
      %add3A_53 = arith.constant 2 : i32
      %add3A_54 = arith.addi %mul3A_52, %add3A_53 : i32
      %dma_start3A_55 = arith.constant 0 : i32
      %dma_start3A_56 = tpu.memref_slice %arg7[%add3A_54, %dma_start3A_55] : memref<80x128xi32, #tpu.memory_space<vmem>> -> memref<1x128xi32, #tpu.memory_space<vmem>>
      %dma_start3A_57 = tpu.memref_squeeze %dma_start3A_56 : memref<1x128xi32, #tpu.memory_space<vmem>> -> memref<128xi32, #tpu.memory_space<vmem>>
      %dma_start3A_58 = arith.constant 0 : i32
      %dma_start3A_59 = arith.constant 0 : i32
      %dma_start3A_60 = tpu.memref_slice %arg8[%dma_start3A_58, %dma_start3A_59] : memref<10240x16xf32, #tpu.memory_space<vmem_shared>> -> memref<10240x16xf32, #tpu.memory_space<vmem_shared>>
      tpu.enqueue_indirect_dma source(%arg9 : memref<128x16xf32, #tpu.memory_space<vmem>>) target(%dma_start3A_60 : memref<10240x16xf32, #tpu.memory_space<vmem_shared>>) offsets(%dma_start3A_57 : memref<128xi32, #tpu.memory_space<vmem>>) semaphore(%arg10 : memref<!tpu.dma_semaphore, #tpu.memory_space<semaphore_mem>>) {add = true}
      %mul3A_61 = arith.constant 8 : i32
      %mul3A_62 = arith.muli %scan3A_31, %mul3A_61 : i32
      %add3A_63 = arith.constant 3 : i32
      %add3A_64 = arith.addi %mul3A_62, %add3A_63 : i32
      %dma_start3A_65 = arith.constant 0 : i32
      %dma_start3A_66 = tpu.memref_slice %arg7[%add3A_64, %dma_start3A_65] : memref<80x128xi32, #tpu.memory_space<vmem>> -> memref<1x128xi32, #tpu.memory_space<vmem>>
      %dma_start3A_67 = tpu.memref_squeeze %dma_start3A_66 : memref<1x128xi32, #tpu.memory_space<vmem>> -> memref<128xi32, #tpu.memory_space<vmem>>
      %dma_start3A_68 = arith.constant 0 : i32
      %dma_start3A_69 = arith.constant 0 : i32
      %dma_start3A_70 = tpu.memref_slice %arg8[%dma_start3A_68, %dma_start3A_69] : memref<10240x16xf32, #tpu.memory_space<vmem_shared>> -> memref<10240x16xf32, #tpu.memory_space<vmem_shared>>
      tpu.enqueue_indirect_dma source(%arg9 : memref<128x16xf32, #tpu.memory_space<vmem>>) target(%dma_start3A_70 : memref<10240x16xf32, #tpu.memory_space<vmem_shared>>) offsets(%dma_start3A_67 : memref<128xi32, #tpu.memory_space<vmem>>) semaphore(%arg10 : memref<!tpu.dma_semaphore, #tpu.memory_space<semaphore_mem>>) {add = true}
      %mul3A_71 = arith.constant 8 : i32
      %mul3A_72 = arith.muli %scan3A_31, %mul3A_71 : i32
      %add3A_73 = arith.constant 4 : i32
      %add3A_74 = arith.addi %mul3A_72, %add3A_73 : i32
      %dma_start3A_75 = arith.constant 0 : i32
      %dma_start3A_76 = tpu.memref_slice %arg7[%add3A_74, %dma_start3A_75] : memref<80x128xi32, #tpu.memory_space<vmem>> -> memref<1x128xi32, #tpu.memory_space<vmem>>
      %dma_start3A_77 = tpu.memref_squeeze %dma_start3A_76 : memref<1x128xi32, #tpu.memory_space<vmem>> -> memref<128xi32, #tpu.memory_space<vmem>>
      %dma_start3A_78 = arith.constant 0 : i32
      %dma_start3A_79 = arith.constant 0 : i32
      %dma_start3A_80 = tpu.memref_slice %arg8[%dma_start3A_78, %dma_start3A_79] : memref<10240x16xf32, #tpu.memory_space<vmem_shared>> -> memref<10240x16xf32, #tpu.memory_space<vmem_shared>>
      tpu.enqueue_indirect_dma source(%arg9 : memref<128x16xf32, #tpu.memory_space<vmem>>) target(%dma_start3A_80 : memref<10240x16xf32, #tpu.memory_space<vmem_shared>>) offsets(%dma_start3A_77 : memref<128xi32, #tpu.memory_space<vmem>>) semaphore(%arg10 : memref<!tpu.dma_semaphore, #tpu.memory_space<semaphore_mem>>) {add = true}
      %mul3A_81 = arith.constant 8 : i32
      %mul3A_82 = arith.muli %scan3A_31, %mul3A_81 : i32
      %add3A_83 = arith.constant 5 : i32
      %add3A_84 = arith.addi %mul3A_82, %add3A_83 : i32
      %dma_start3A_85 = arith.constant 0 : i32
      %dma_start3A_86 = tpu.memref_slice %arg7[%add3A_84, %dma_start3A_85] : memref<80x128xi32, #tpu.memory_space<vmem>> -> memref<1x128xi32, #tpu.memory_space<vmem>>
      %dma_start3A_87 = tpu.memref_squeeze %dma_start3A_86 : memref<1x128xi32, #tpu.memory_space<vmem>> -> memref<128xi32, #tpu.memory_space<vmem>>
      %dma_start3A_88 = arith.constant 0 : i32
      %dma_start3A_89 = arith.constant 0 : i32
      %dma_start3A_90 = tpu.memref_slice %arg8[%dma_start3A_88, %dma_start3A_89] : memref<10240x16xf32, #tpu.memory_space<vmem_shared>> -> memref<10240x16xf32, #tpu.memory_space<vmem_shared>>
      tpu.enqueue_indirect_dma source(%arg9 : memref<128x16xf32, #tpu.memory_space<vmem>>) target(%dma_start3A_90 : memref<10240x16xf32, #tpu.memory_space<vmem_shared>>) offsets(%dma_start3A_87 : memref<128xi32, #tpu.memory_space<vmem>>) semaphore(%arg10 : memref<!tpu.dma_semaphore, #tpu.memory_space<semaphore_mem>>) {add = true}
      %mul3A_91 = arith.constant 8 : i32
      %mul3A_92 = arith.muli %scan3A_31, %mul3A_91 : i32
      %add3A_93 = arith.constant 6 : i32
      %add3A_94 = arith.addi %mul3A_92, %add3A_93 : i32
      %dma_start3A_95 = arith.constant 0 : i32
      %dma_start3A_96 = tpu.memref_slice %arg7[%add3A_94, %dma_start3A_95] : memref<80x128xi32, #tpu.memory_space<vmem>> -> memref<1x128xi32, #tpu.memory_space<vmem>>
      %dma_start3A_97 = tpu.memref_squeeze %dma_start3A_96 : memref<1x128xi32, #tpu.memory_space<vmem>> -> memref<128xi32, #tpu.memory_space<vmem>>
      %dma_start3A_98 = arith.constant 0 : i32
      %dma_start3A_99 = arith.constant 0 : i32
      %dma_start3A_100 = tpu.memref_slice %arg8[%dma_start3A_98, %dma_start3A_99] : memref<10240x16xf32, #tpu.memory_space<vmem_shared>> -> memref<10240x16xf32, #tpu.memory_space<vmem_shared>>
      tpu.enqueue_indirect_dma source(%arg9 : memref<128x16xf32, #tpu.memory_space<vmem>>) target(%dma_start3A_100 : memref<10240x16xf32, #tpu.memory_space<vmem_shared>>) offsets(%dma_start3A_97 : memref<128xi32, #tpu.memory_space<vmem>>) semaphore(%arg10 : memref<!tpu.dma_semaphore, #tpu.memory_space<semaphore_mem>>) {add = true}
      %mul3A_101 = arith.constant 8 : i32
      %mul3A_102 = arith.muli %scan3A_31, %mul3A_101 : i32
      %add3A_103 = arith.constant 7 : i32
      %add3A_104 = arith.addi %mul3A_102, %add3A_103 : i32
      %dma_start3A_105 = arith.constant 0 : i32
      %dma_start3A_106 = tpu.memref_slice %arg7[%add3A_104, %dma_start3A_105] : memref<80x128xi32, #tpu.memory_space<vmem>> -> memref<1x128xi32, #tpu.memory_space<vmem>>
      %dma_start3A_107 = tpu.memref_squeeze %dma_start3A_106 : memref<1x128xi32, #tpu.memory_space<vmem>> -> memref<128xi32, #tpu.memory_space<vmem>>
      %dma_start3A_108 = arith.constant 0 : i32
      %dma_start3A_109 = arith.constant 0 : i32
      %dma_start3A_110 = tpu.memref_slice %arg8[%dma_start3A_108, %dma_start3A_109] : memref<10240x16xf32, #tpu.memory_space<vmem_shared>> -> memref<10240x16xf32, #tpu.memory_space<vmem_shared>>
      tpu.enqueue_indirect_dma source(%arg9 : memref<128x16xf32, #tpu.memory_space<vmem>>) target(%dma_start3A_110 : memref<10240x16xf32, #tpu.memory_space<vmem_shared>>) offsets(%dma_start3A_107 : memref<128xi32, #tpu.memory_space<vmem>>) semaphore(%arg10 : memref<!tpu.dma_semaphore, #tpu.memory_space<semaphore_mem>>) {add = true}
      %dma_wait3A = arith.constant 0 : i32
      %dma_wait3A_111 = arith.constant 0 : i32
      %dma_wait3A_112 = tpu.memref_slice %arg7[%dma_wait3A, %dma_wait3A_111] : memref<80x128xi32, #tpu.memory_space<vmem>> -> memref<1x128xi32, #tpu.memory_space<vmem>>
      %dma_wait3A_113 = tpu.memref_squeeze %dma_wait3A_112 : memref<1x128xi32, #tpu.memory_space<vmem>> -> memref<128xi32, #tpu.memory_space<vmem>>
      %dma_wait3A_114 = arith.constant 0 : i32
      %dma_wait3A_115 = arith.constant 0 : i32
      %dma_wait3A_116 = tpu.memref_slice %arg8[%dma_wait3A_114, %dma_wait3A_115] : memref<10240x16xf32, #tpu.memory_space<vmem_shared>> -> memref<10240x16xf32, #tpu.memory_space<vmem_shared>>
      tpu.wait_indirect_dma semaphore(%arg10 : memref<!tpu.dma_semaphore, #tpu.memory_space<semaphore_mem>>) src(%arg9 : memref<128x16xf32, #tpu.memory_space<vmem>>) dst(%dma_wait3A_116 : memref<10240x16xf32, #tpu.memory_space<vmem_shared>>)
      %dma_wait3A_117 = arith.constant 0 : i32
      %dma_wait3A_118 = arith.constant 0 : i32
      %dma_wait3A_119 = tpu.memref_slice %arg7[%dma_wait3A_117, %dma_wait3A_118] : memref<80x128xi32, #tpu.memory_space<vmem>> -> memref<1x128xi32, #tpu.memory_space<vmem>>
      %dma_wait3A_120 = tpu.memref_squeeze %dma_wait3A_119 : memref<1x128xi32, #tpu.memory_space<vmem>> -> memref<128xi32, #tpu.memory_space<vmem>>
      %dma_wait3A_121 = arith.constant 0 : i32
      %dma_wait3A_122 = arith.constant 0 : i32
      %dma_wait3A_123 = tpu.memref_slice %arg8[%dma_wait3A_121, %dma_wait3A_122] : memref<10240x16xf32, #tpu.memory_space<vmem_shared>> -> memref<10240x16xf32, #tpu.memory_space<vmem_shared>>
      tpu.wait_indirect_dma semaphore(%arg10 : memref<!tpu.dma_semaphore, #tpu.memory_space<semaphore_mem>>) src(%arg9 : memref<128x16xf32, #tpu.memory_space<vmem>>) dst(%dma_wait3A_123 : memref<10240x16xf32, #tpu.memory_space<vmem_shared>>)
      %dma_wait3A_124 = arith.constant 0 : i32
      %dma_wait3A_125 = arith.constant 0 : i32
      %dma_wait3A_126 = tpu.memref_slice %arg7[%dma_wait3A_124, %dma_wait3A_125] : memref<80x128xi32, #tpu.memory_space<vmem>> -> memref<1x128xi32, #tpu.memory_space<vmem>>
      %dma_wait3A_127 = tpu.memref_squeeze %dma_wait3A_126 : memref<1x128xi32, #tpu.memory_space<vmem>> -> memref<128xi32, #tpu.memory_space<vmem>>
      %dma_wait3A_128 = arith.constant 0 : i32
      %dma_wait3A_129 = arith.constant 0 : i32
      %dma_wait3A_130 = tpu.memref_slice %arg8[%dma_wait3A_128, %dma_wait3A_129] : memref<10240x16xf32, #tpu.memory_space<vmem_shared>> -> memref<10240x16xf32, #tpu.memory_space<vmem_shared>>
      tpu.wait_indirect_dma semaphore(%arg10 : memref<!tpu.dma_semaphore, #tpu.memory_space<semaphore_mem>>) src(%arg9 : memref<128x16xf32, #tpu.memory_space<vmem>>) dst(%dma_wait3A_130 : memref<10240x16xf32, #tpu.memory_space<vmem_shared>>)
      %dma_wait3A_131 = arith.constant 0 : i32
      %dma_wait3A_132 = arith.constant 0 : i32
      %dma_wait3A_133 = tpu.memref_slice %arg7[%dma_wait3A_131, %dma_wait3A_132] : memref<80x128xi32, #tpu.memory_space<vmem>> -> memref<1x128xi32, #tpu.memory_space<vmem>>
      %dma_wait3A_134 = tpu.memref_squeeze %dma_wait3A_133 : memref<1x128xi32, #tpu.memory_space<vmem>> -> memref<128xi32, #tpu.memory_space<vmem>>
      %dma_wait3A_135 = arith.constant 0 : i32
      %dma_wait3A_136 = arith.constant 0 : i32
      %dma_wait3A_137 = tpu.memref_slice %arg8[%dma_wait3A_135, %dma_wait3A_136] : memref<10240x16xf32, #tpu.memory_space<vmem_shared>> -> memref<10240x16xf32, #tpu.memory_space<vmem_shared>>
      tpu.wait_indirect_dma semaphore(%arg10 : memref<!tpu.dma_semaphore, #tpu.memory_space<semaphore_mem>>) src(%arg9 : memref<128x16xf32, #tpu.memory_space<vmem>>) dst(%dma_wait3A_137 : memref<10240x16xf32, #tpu.memory_space<vmem_shared>>)
      %dma_wait3A_138 = arith.constant 0 : i32
      %dma_wait3A_139 = arith.constant 0 : i32
      %dma_wait3A_140 = tpu.memref_slice %arg7[%dma_wait3A_138, %dma_wait3A_139] : memref<80x128xi32, #tpu.memory_space<vmem>> -> memref<1x128xi32, #tpu.memory_space<vmem>>
      %dma_wait3A_141 = tpu.memref_squeeze %dma_wait3A_140 : memref<1x128xi32, #tpu.memory_space<vmem>> -> memref<128xi32, #tpu.memory_space<vmem>>
      %dma_wait3A_142 = arith.constant 0 : i32
      %dma_wait3A_143 = arith.constant 0 : i32
      %dma_wait3A_144 = tpu.memref_slice %arg8[%dma_wait3A_142, %dma_wait3A_143] : memref<10240x16xf32, #tpu.memory_space<vmem_shared>> -> memref<10240x16xf32, #tpu.memory_space<vmem_shared>>
      tpu.wait_indirect_dma semaphore(%arg10 : memref<!tpu.dma_semaphore, #tpu.memory_space<semaphore_mem>>) src(%arg9 : memref<128x16xf32, #tpu.memory_space<vmem>>) dst(%dma_wait3A_144 : memref<10240x16xf32, #tpu.memory_space<vmem_shared>>)
      %dma_wait3A_145 = arith.constant 0 : i32
      %dma_wait3A_146 = arith.constant 0 : i32
      %dma_wait3A_147 = tpu.memref_slice %arg7[%dma_wait3A_145, %dma_wait3A_146] : memref<80x128xi32, #tpu.memory_space<vmem>> -> memref<1x128xi32, #tpu.memory_space<vmem>>
      %dma_wait3A_148 = tpu.memref_squeeze %dma_wait3A_147 : memref<1x128xi32, #tpu.memory_space<vmem>> -> memref<128xi32, #tpu.memory_space<vmem>>
      %dma_wait3A_149 = arith.constant 0 : i32
      %dma_wait3A_150 = arith.constant 0 : i32
      %dma_wait3A_151 = tpu.memref_slice %arg8[%dma_wait3A_149, %dma_wait3A_150] : memref<10240x16xf32, #tpu.memory_space<vmem_shared>> -> memref<10240x16xf32, #tpu.memory_space<vmem_shared>>
      tpu.wait_indirect_dma semaphore(%arg10 : memref<!tpu.dma_semaphore, #tpu.memory_space<semaphore_mem>>) src(%arg9 : memref<128x16xf32, #tpu.memory_space<vmem>>) dst(%dma_wait3A_151 : memref<10240x16xf32, #tpu.memory_space<vmem_shared>>)
      %dma_wait3A_152 = arith.constant 0 : i32
      %dma_wait3A_153 = arith.constant 0 : i32
      %dma_wait3A_154 = tpu.memref_slice %arg7[%dma_wait3A_152, %dma_wait3A_153] : memref<80x128xi32, #tpu.memory_space<vmem>> -> memref<1x128xi32, #tpu.memory_space<vmem>>
      %dma_wait3A_155 = tpu.memref_squeeze %dma_wait3A_154 : memref<1x128xi32, #tpu.memory_space<vmem>> -> memref<128xi32, #tpu.memory_space<vmem>>
      %dma_wait3A_156 = arith.constant 0 : i32
      %dma_wait3A_157 = arith.constant 0 : i32
      %dma_wait3A_158 = tpu.memref_slice %arg8[%dma_wait3A_156, %dma_wait3A_157] : memref<10240x16xf32, #tpu.memory_space<vmem_shared>> -> memref<10240x16xf32, #tpu.memory_space<vmem_shared>>
      tpu.wait_indirect_dma semaphore(%arg10 : memref<!tpu.dma_semaphore, #tpu.memory_space<semaphore_mem>>) src(%arg9 : memref<128x16xf32, #tpu.memory_space<vmem>>) dst(%dma_wait3A_158 : memref<10240x16xf32, #tpu.memory_space<vmem_shared>>)
      %dma_wait3A_159 = arith.constant 0 : i32
      %dma_wait3A_160 = arith.constant 0 : i32
      %dma_wait3A_161 = tpu.memref_slice %arg7[%dma_wait3A_159, %dma_wait3A_160] : memref<80x128xi32, #tpu.memory_space<vmem>> -> memref<1x128xi32, #tpu.memory_space<vmem>>
      %dma_wait3A_162 = tpu.memref_squeeze %dma_wait3A_161 : memref<1x128xi32, #tpu.memory_space<vmem>> -> memref<128xi32, #tpu.memory_space<vmem>>
      %dma_wait3A_163 = arith.constant 0 : i32
      %dma_wait3A_164 = arith.constant 0 : i32
      %dma_wait3A_165 = tpu.memref_slice %arg8[%dma_wait3A_163, %dma_wait3A_164] : memref<10240x16xf32, #tpu.memory_space<vmem_shared>> -> memref<10240x16xf32, #tpu.memory_space<vmem_shared>>
      tpu.wait_indirect_dma semaphore(%arg10 : memref<!tpu.dma_semaphore, #tpu.memory_space<semaphore_mem>>) src(%arg9 : memref<128x16xf32, #tpu.memory_space<vmem>>) dst(%dma_wait3A_165 : memref<10240x16xf32, #tpu.memory_space<vmem_shared>>)
    }
    %scan3A_29 = arith.constant 10 : i32
    %barrier3A_30 = arith.constant 0 : index
    tpu.barrier barrier_id(%barrier3A_30)
    "tpu.region"() ({
      %run_scoped3A = tpu.sem_alloc : memref<!tpu.dma_semaphore, #tpu.memory_space<semaphore_mem>>
      %dma_start3A = arith.constant 0 : i32
      %dma_start3A_31 = tpu.memref_slice %arg5[%arg0, %mul3A_7, %dma_start3A] : memref<2x10240x16xf32, #tpu.memory_space<hbm>> -> memref<1x640x16xf32, #tpu.memory_space<hbm>>
      %dma_start3A_32 = tpu.memref_squeeze %dma_start3A_31 : memref<1x640x16xf32, #tpu.memory_space<hbm>> -> memref<640x16xf32, #tpu.memory_space<hbm>>
      %dma_start3A_33 = arith.constant 0 : i32
      %dma_start3A_34 = tpu.memref_slice %arg8[%mul3A_7, %dma_start3A_33] : memref<10240x16xf32, #tpu.memory_space<vmem_shared>> -> memref<640x16xf32, #tpu.memory_space<vmem_shared>>
      tpu.enqueue_dma source(%dma_start3A_34 : memref<640x16xf32, #tpu.memory_space<vmem_shared>>) target(%dma_start3A_32 : memref<640x16xf32, #tpu.memory_space<hbm>>) target_semaphore(%run_scoped3A : memref<!tpu.dma_semaphore, #tpu.memory_space<semaphore_mem>>)
      %dma_wait3A = arith.constant 0 : i32
      %dma_wait3A_35 = tpu.memref_slice %arg5[%arg0, %mul3A_7, %dma_wait3A] : memref<2x10240x16xf32, #tpu.memory_space<hbm>> -> memref<1x640x16xf32, #tpu.memory_space<hbm>>
      %dma_wait3A_36 = tpu.memref_squeeze %dma_wait3A_35 : memref<1x640x16xf32, #tpu.memory_space<hbm>> -> memref<640x16xf32, #tpu.memory_space<hbm>>
      %dma_wait3A_37 = arith.constant 0 : i32
      %dma_wait3A_38 = tpu.memref_slice %arg8[%mul3A_7, %dma_wait3A_37] : memref<10240x16xf32, #tpu.memory_space<vmem_shared>> -> memref<640x16xf32, #tpu.memory_space<vmem_shared>>
      tpu.wait_dma2 semaphore(%run_scoped3A : memref<!tpu.dma_semaphore, #tpu.memory_space<semaphore_mem>>) src(%dma_wait3A_38 : memref<640x16xf32, #tpu.memory_space<vmem_shared>>) dst(%dma_wait3A_36 : memref<640x16xf32, #tpu.memory_space<hbm>>)
      tpu.yield
    }) : () -> ()
    return
  }
}

#map = affine_map<(d0, d1) -> (0, 0)>
#map1 = affine_map<(d0, d1) -> (0, 0, 0)>
module attributes {stable_mosaic.version = 14 : i64} {
  func.func @kern(%arg0: i32, %arg1: i32, %arg2: memref<10240x128xf32, #tpu.memory_space<hbm>>, %arg3: memref<32x10240xi32, #tpu.memory_space<hbm>>, %arg4: memref<32x256x40xi32, #tpu.memory_space<hbm>>, %arg5: memref<2x10240x128xf32, #tpu.memory_space<hbm>>, %arg6: memref<10240xi32, #tpu.memory_space<vmem>>, %arg7: memref<256x40xi32, #tpu.memory_space<vmem>>, %arg8: memref<10240x128xf32, #tpu.memory_space<vmem_shared>>, %arg9: memref<40x128xf32, #tpu.memory_space<vmem>>, %arg10: memref<40x128xf32, #tpu.memory_space<vmem>>, %arg11: memref<40x128xf32, #tpu.memory_space<vmem>>, %arg12: memref<40x128xf32, #tpu.memory_space<vmem>>, %arg13: memref<!tpu.dma_semaphore, #tpu.memory_space<semaphore_mem>>, %arg14: memref<!tpu.dma_semaphore, #tpu.memory_space<semaphore_mem>>, %arg15: memref<!tpu.dma_semaphore, #tpu.memory_space<semaphore_mem>>, %arg16: memref<!tpu.dma_semaphore, #tpu.memory_space<semaphore_mem>>) attributes {dimension_semantics = [#tpu.dimension_semantics<core_parallel>, #tpu.dimension_semantics<subcore_parallel>], iteration_bounds = array<i64: 2, 16>, scalar_prefetch = 0 : i64, scratch_operands = 11 : i64, tpu.core_type = #tpu.core_type<sc_vector_subcore>, window_params = [{transform_indices = #map}, {transform_indices = #map}, {transform_indices = #map1}, {transform_indices = #map1}]} {
    %mul3A = arith.constant 16 : i32
    %mul3A_0 = arith.muli %arg0, %mul3A : i32
    %add3A = arith.addi %mul3A_0, %arg1 : i32
    %scan3A = arith.constant 0 : i32
    %scan3A_1 = arith.constant 0 : i32
    %scan3A_2 = arith.constant 40 : i32
    %scan3A_3 = arith.addi %scan3A_1, %scan3A_2 : i32
    %scan3A_4 = arith.constant 1 : i32
    scf.for %scan3A_40 = %scan3A_1 to %scan3A_3 step %scan3A_4  : i32 {
      %broadcast_in_dim3A = arith.constant 0.000000e+00 : f32
      %broadcast_in_dim3A_41 = vector.broadcast %broadcast_in_dim3A : f32 to vector<16xf32>
      %swap3A = arith.index_cast %scan3A_40 : i32 to index
      %swap3A_42 = arith.constant 0 : index
      %swap3A_43 = tpu.vector_load %arg12[%swap3A, %swap3A_42] {strides = array<i32>} : memref<40x128xf32, #tpu.memory_space<vmem>>, vector<1x16xf32>,
      %swap3A_44 = vector.shape_cast %swap3A_43 : vector<1x16xf32> to vector<16xf32>
      %swap3A_45 = vector.shape_cast %broadcast_in_dim3A_41 : vector<16xf32> to vector<1x16xf32>
      tpu.vector_store %arg12[%swap3A, %swap3A_42], %swap3A_45 {strides = array<i32>} : memref<40x128xf32, #tpu.memory_space<vmem>>, vector<1x16xf32>,
      %broadcast_in_dim3A_46 = arith.constant 0.000000e+00 : f32
      %broadcast_in_dim3A_47 = vector.broadcast %broadcast_in_dim3A_46 : f32 to vector<16xf32>
      %swap3A_48 = arith.index_cast %scan3A_40 : i32 to index
      %swap3A_49 = arith.constant 16 : index
      %swap3A_50 = tpu.vector_load %arg12[%swap3A_48, %swap3A_49] {strides = array<i32>} : memref<40x128xf32, #tpu.memory_space<vmem>>, vector<1x16xf32>,
      %swap3A_51 = vector.shape_cast %swap3A_50 : vector<1x16xf32> to vector<16xf32>
      %swap3A_52 = vector.shape_cast %broadcast_in_dim3A_47 : vector<16xf32> to vector<1x16xf32>
      tpu.vector_store %arg12[%swap3A_48, %swap3A_49], %swap3A_52 {strides = array<i32>} : memref<40x128xf32, #tpu.memory_space<vmem>>, vector<1x16xf32>,
      %broadcast_in_dim3A_53 = arith.constant 0.000000e+00 : f32
      %broadcast_in_dim3A_54 = vector.broadcast %broadcast_in_dim3A_53 : f32 to vector<16xf32>
      %swap3A_55 = arith.index_cast %scan3A_40 : i32 to index
      %swap3A_56 = arith.constant 32 : index
      %swap3A_57 = tpu.vector_load %arg12[%swap3A_55, %swap3A_56] {strides = array<i32>} : memref<40x128xf32, #tpu.memory_space<vmem>>, vector<1x16xf32>,
      %swap3A_58 = vector.shape_cast %swap3A_57 : vector<1x16xf32> to vector<16xf32>
      %swap3A_59 = vector.shape_cast %broadcast_in_dim3A_54 : vector<16xf32> to vector<1x16xf32>
      tpu.vector_store %arg12[%swap3A_55, %swap3A_56], %swap3A_59 {strides = array<i32>} : memref<40x128xf32, #tpu.memory_space<vmem>>, vector<1x16xf32>,
      %broadcast_in_dim3A_60 = arith.constant 0.000000e+00 : f32
      %broadcast_in_dim3A_61 = vector.broadcast %broadcast_in_dim3A_60 : f32 to vector<16xf32>
      %swap3A_62 = arith.index_cast %scan3A_40 : i32 to index
      %swap3A_63 = arith.constant 48 : index
      %swap3A_64 = tpu.vector_load %arg12[%swap3A_62, %swap3A_63] {strides = array<i32>} : memref<40x128xf32, #tpu.memory_space<vmem>>, vector<1x16xf32>,
      %swap3A_65 = vector.shape_cast %swap3A_64 : vector<1x16xf32> to vector<16xf32>
      %swap3A_66 = vector.shape_cast %broadcast_in_dim3A_61 : vector<16xf32> to vector<1x16xf32>
      tpu.vector_store %arg12[%swap3A_62, %swap3A_63], %swap3A_66 {strides = array<i32>} : memref<40x128xf32, #tpu.memory_space<vmem>>, vector<1x16xf32>,
      %broadcast_in_dim3A_67 = arith.constant 0.000000e+00 : f32
      %broadcast_in_dim3A_68 = vector.broadcast %broadcast_in_dim3A_67 : f32 to vector<16xf32>
      %swap3A_69 = arith.index_cast %scan3A_40 : i32 to index
      %swap3A_70 = arith.constant 64 : index
      %swap3A_71 = tpu.vector_load %arg12[%swap3A_69, %swap3A_70] {strides = array<i32>} : memref<40x128xf32, #tpu.memory_space<vmem>>, vector<1x16xf32>,
      %swap3A_72 = vector.shape_cast %swap3A_71 : vector<1x16xf32> to vector<16xf32>
      %swap3A_73 = vector.shape_cast %broadcast_in_dim3A_68 : vector<16xf32> to vector<1x16xf32>
      tpu.vector_store %arg12[%swap3A_69, %swap3A_70], %swap3A_73 {strides = array<i32>} : memref<40x128xf32, #tpu.memory_space<vmem>>, vector<1x16xf32>,
      %broadcast_in_dim3A_74 = arith.constant 0.000000e+00 : f32
      %broadcast_in_dim3A_75 = vector.broadcast %broadcast_in_dim3A_74 : f32 to vector<16xf32>
      %swap3A_76 = arith.index_cast %scan3A_40 : i32 to index
      %swap3A_77 = arith.constant 80 : index
      %swap3A_78 = tpu.vector_load %arg12[%swap3A_76, %swap3A_77] {strides = array<i32>} : memref<40x128xf32, #tpu.memory_space<vmem>>, vector<1x16xf32>,
      %swap3A_79 = vector.shape_cast %swap3A_78 : vector<1x16xf32> to vector<16xf32>
      %swap3A_80 = vector.shape_cast %broadcast_in_dim3A_75 : vector<16xf32> to vector<1x16xf32>
      tpu.vector_store %arg12[%swap3A_76, %swap3A_77], %swap3A_80 {strides = array<i32>} : memref<40x128xf32, #tpu.memory_space<vmem>>, vector<1x16xf32>,
      %broadcast_in_dim3A_81 = arith.constant 0.000000e+00 : f32
      %broadcast_in_dim3A_82 = vector.broadcast %broadcast_in_dim3A_81 : f32 to vector<16xf32>
      %swap3A_83 = arith.index_cast %scan3A_40 : i32 to index
      %swap3A_84 = arith.constant 96 : index
      %swap3A_85 = tpu.vector_load %arg12[%swap3A_83, %swap3A_84] {strides = array<i32>} : memref<40x128xf32, #tpu.memory_space<vmem>>, vector<1x16xf32>,
      %swap3A_86 = vector.shape_cast %swap3A_85 : vector<1x16xf32> to vector<16xf32>
      %swap3A_87 = vector.shape_cast %broadcast_in_dim3A_82 : vector<16xf32> to vector<1x16xf32>
      tpu.vector_store %arg12[%swap3A_83, %swap3A_84], %swap3A_87 {strides = array<i32>} : memref<40x128xf32, #tpu.memory_space<vmem>>, vector<1x16xf32>,
      %broadcast_in_dim3A_88 = arith.constant 0.000000e+00 : f32
      %broadcast_in_dim3A_89 = vector.broadcast %broadcast_in_dim3A_88 : f32 to vector<16xf32>
      %swap3A_90 = arith.index_cast %scan3A_40 : i32 to index
      %swap3A_91 = arith.constant 112 : index
      %swap3A_92 = tpu.vector_load %arg12[%swap3A_90, %swap3A_91] {strides = array<i32>} : memref<40x128xf32, #tpu.memory_space<vmem>>, vector<1x16xf32>,
      %swap3A_93 = vector.shape_cast %swap3A_92 : vector<1x16xf32> to vector<16xf32>
      %swap3A_94 = vector.shape_cast %broadcast_in_dim3A_89 : vector<16xf32> to vector<1x16xf32>
      tpu.vector_store %arg12[%swap3A_90, %swap3A_91], %swap3A_94 {strides = array<i32>} : memref<40x128xf32, #tpu.memory_space<vmem>>, vector<1x16xf32>,
    }
    %scan3A_5 = arith.constant 40 : i32
    %mul3A_6 = arith.constant 640 : i32
    %mul3A_7 = arith.muli %arg1, %mul3A_6 : i32
    %scan3A_8 = arith.constant 0 : i32
    %scan3A_9 = arith.constant 0 : i32
    %scan3A_10 = arith.constant 16 : i32
    %scan3A_11 = arith.addi %scan3A_9, %scan3A_10 : i32
    %scan3A_12 = arith.constant 1 : i32
    scf.for %scan3A_40 = %scan3A_9 to %scan3A_11 step %scan3A_12  : i32 {
      %mul3A_41 = arith.constant 40 : i32
      %mul3A_42 = arith.muli %scan3A_40, %mul3A_41 : i32
      %add3A_43 = arith.addi %mul3A_7, %mul3A_42 : i32
      "tpu.region"() ({
        %run_scoped3A = tpu.sem_alloc : memref<!tpu.dma_semaphore, #tpu.memory_space<semaphore_mem>>
        %dma_start3A_44 = arith.constant 0 : i32
        %dma_start3A_45 = tpu.memref_slice %arg8[%add3A_43, %dma_start3A_44] : memref<10240x128xf32, #tpu.memory_space<vmem_shared>> -> memref<40x128xf32, #tpu.memory_space<vmem_shared>>
        %dma_start3A_46 = arith.constant 0 : i32
        %dma_start3A_47 = tpu.memref_slice %arg8[%add3A_43, %dma_start3A_46] : memref<10240x128xf32, #tpu.memory_space<vmem_shared>> -> memref<40x128xf32, #tpu.memory_space<vmem_shared>>
        tpu.enqueue_dma source(%arg12 : memref<40x128xf32, #tpu.memory_space<vmem>>) target(%dma_start3A_47 : memref<40x128xf32, #tpu.memory_space<vmem_shared>>) target_semaphore(%run_scoped3A : memref<!tpu.dma_semaphore, #tpu.memory_space<semaphore_mem>>)
        %dma_wait3A = arith.constant 0 : i32
        %dma_wait3A_48 = tpu.memref_slice %arg8[%add3A_43, %dma_wait3A] : memref<10240x128xf32, #tpu.memory_space<vmem_shared>> -> memref<40x128xf32, #tpu.memory_space<vmem_shared>>
        %dma_wait3A_49 = arith.constant 0 : i32
        %dma_wait3A_50 = tpu.memref_slice %arg8[%add3A_43, %dma_wait3A_49] : memref<10240x128xf32, #tpu.memory_space<vmem_shared>> -> memref<40x128xf32, #tpu.memory_space<vmem_shared>>
        tpu.wait_dma2 semaphore(%run_scoped3A : memref<!tpu.dma_semaphore, #tpu.memory_space<semaphore_mem>>) src(%arg12 : memref<40x128xf32, #tpu.memory_space<vmem>>) dst(%dma_wait3A_50 : memref<40x128xf32, #tpu.memory_space<vmem_shared>>)
        tpu.yield
      }) : () -> ()
    }
    %scan3A_13 = arith.constant 16 : i32
    "tpu.region"() ({
      %run_scoped3A = tpu.sem_alloc : memref<!tpu.dma_semaphore, #tpu.memory_space<semaphore_mem>>
      %dma_start3A_40 = arith.constant 0 : i32
      %dma_start3A_41 = arith.constant 0 : i32
      %dma_start3A_42 = tpu.memref_slice %arg4[%add3A, %dma_start3A_40, %dma_start3A_41] : memref<32x256x40xi32, #tpu.memory_space<hbm>> -> memref<1x256x40xi32, #tpu.memory_space<hbm>>
      %dma_start3A_43 = tpu.memref_squeeze %dma_start3A_42 : memref<1x256x40xi32, #tpu.memory_space<hbm>> -> memref<256x40xi32, #tpu.memory_space<hbm>>
      %dma_start3A_44 = arith.constant 0 : i32
      %dma_start3A_45 = arith.constant 0 : i32
      %dma_start3A_46 = tpu.memref_slice %arg4[%add3A, %dma_start3A_44, %dma_start3A_45] : memref<32x256x40xi32, #tpu.memory_space<hbm>> -> memref<1x256x40xi32, #tpu.memory_space<hbm>>
      %dma_start3A_47 = tpu.memref_squeeze %dma_start3A_46 : memref<1x256x40xi32, #tpu.memory_space<hbm>> -> memref<256x40xi32, #tpu.memory_space<hbm>>
      tpu.enqueue_dma source(%dma_start3A_47 : memref<256x40xi32, #tpu.memory_space<hbm>>) target(%arg7 : memref<256x40xi32, #tpu.memory_space<vmem>>) target_semaphore(%run_scoped3A : memref<!tpu.dma_semaphore, #tpu.memory_space<semaphore_mem>>)
      %dma_wait3A = arith.constant 0 : i32
      %dma_wait3A_48 = arith.constant 0 : i32
      %dma_wait3A_49 = tpu.memref_slice %arg4[%add3A, %dma_wait3A, %dma_wait3A_48] : memref<32x256x40xi32, #tpu.memory_space<hbm>> -> memref<1x256x40xi32, #tpu.memory_space<hbm>>
      %dma_wait3A_50 = tpu.memref_squeeze %dma_wait3A_49 : memref<1x256x40xi32, #tpu.memory_space<hbm>> -> memref<256x40xi32, #tpu.memory_space<hbm>>
      %dma_wait3A_51 = arith.constant 0 : i32
      %dma_wait3A_52 = arith.constant 0 : i32
      %dma_wait3A_53 = tpu.memref_slice %arg4[%add3A, %dma_wait3A_51, %dma_wait3A_52] : memref<32x256x40xi32, #tpu.memory_space<hbm>> -> memref<1x256x40xi32, #tpu.memory_space<hbm>>
      %dma_wait3A_54 = tpu.memref_squeeze %dma_wait3A_53 : memref<1x256x40xi32, #tpu.memory_space<hbm>> -> memref<256x40xi32, #tpu.memory_space<hbm>>
      tpu.wait_dma2 semaphore(%run_scoped3A : memref<!tpu.dma_semaphore, #tpu.memory_space<semaphore_mem>>) src(%dma_wait3A_54 : memref<256x40xi32, #tpu.memory_space<hbm>>) dst(%arg7 : memref<256x40xi32, #tpu.memory_space<vmem>>)
      tpu.yield
    }) : () -> ()
    "tpu.region"() ({
      %run_scoped3A = tpu.sem_alloc : memref<!tpu.dma_semaphore, #tpu.memory_space<semaphore_mem>>
      %dma_start3A_40 = arith.constant 0 : i32
      %dma_start3A_41 = tpu.memref_slice %arg3[%add3A, %dma_start3A_40] : memref<32x10240xi32, #tpu.memory_space<hbm>> -> memref<1x10240xi32, #tpu.memory_space<hbm>>
      %dma_start3A_42 = tpu.memref_squeeze %dma_start3A_41 : memref<1x10240xi32, #tpu.memory_space<hbm>> -> memref<10240xi32, #tpu.memory_space<hbm>>
      %dma_start3A_43 = arith.constant 0 : i32
      %dma_start3A_44 = tpu.memref_slice %arg3[%add3A, %dma_start3A_43] : memref<32x10240xi32, #tpu.memory_space<hbm>> -> memref<1x10240xi32, #tpu.memory_space<hbm>>
      %dma_start3A_45 = tpu.memref_squeeze %dma_start3A_44 : memref<1x10240xi32, #tpu.memory_space<hbm>> -> memref<10240xi32, #tpu.memory_space<hbm>>
      tpu.enqueue_dma source(%dma_start3A_45 : memref<10240xi32, #tpu.memory_space<hbm>>) target(%arg6 : memref<10240xi32, #tpu.memory_space<vmem>>) target_semaphore(%run_scoped3A : memref<!tpu.dma_semaphore, #tpu.memory_space<semaphore_mem>>)
      %dma_wait3A = arith.constant 0 : i32
      %dma_wait3A_46 = tpu.memref_slice %arg3[%add3A, %dma_wait3A] : memref<32x10240xi32, #tpu.memory_space<hbm>> -> memref<1x10240xi32, #tpu.memory_space<hbm>>
      %dma_wait3A_47 = tpu.memref_squeeze %dma_wait3A_46 : memref<1x10240xi32, #tpu.memory_space<hbm>> -> memref<10240xi32, #tpu.memory_space<hbm>>
      %dma_wait3A_48 = arith.constant 0 : i32
      %dma_wait3A_49 = tpu.memref_slice %arg3[%add3A, %dma_wait3A_48] : memref<32x10240xi32, #tpu.memory_space<hbm>> -> memref<1x10240xi32, #tpu.memory_space<hbm>>
      %dma_wait3A_50 = tpu.memref_squeeze %dma_wait3A_49 : memref<1x10240xi32, #tpu.memory_space<hbm>> -> memref<10240xi32, #tpu.memory_space<hbm>>
      tpu.wait_dma2 semaphore(%run_scoped3A : memref<!tpu.dma_semaphore, #tpu.memory_space<semaphore_mem>>) src(%dma_wait3A_50 : memref<10240xi32, #tpu.memory_space<hbm>>) dst(%arg6 : memref<10240xi32, #tpu.memory_space<vmem>>)
      tpu.yield
    }) : () -> ()
    %barrier3A = arith.constant 0 : index
    tpu.barrier barrier_id(%barrier3A)
    %dma_start3A = arith.constant 0 : i32
    %dma_start3A_14 = tpu.memref_slice %arg6[%dma_start3A] : memref<10240xi32, #tpu.memory_space<vmem>> -> memref<40xi32, #tpu.memory_space<vmem>>
    %dma_start3A_15 = arith.constant 0 : i32
    %dma_start3A_16 = arith.constant 0 : i32
    %dma_start3A_17 = tpu.memref_slice %arg2[%dma_start3A_15, %dma_start3A_16] : memref<10240x128xf32, #tpu.memory_space<hbm>> -> memref<10240x128xf32, #tpu.memory_space<hbm>>
    tpu.enqueue_indirect_dma source(%dma_start3A_17 : memref<10240x128xf32, #tpu.memory_space<hbm>>) target(%arg9 : memref<40x128xf32, #tpu.memory_space<vmem>>) offsets(%dma_start3A_14 : memref<40xi32, #tpu.memory_space<vmem>>) semaphore(%arg13 : memref<!tpu.dma_semaphore, #tpu.memory_space<semaphore_mem>>)
    %dma_start3A_18 = arith.constant 40 : i32
    %dma_start3A_19 = tpu.memref_slice %arg6[%dma_start3A_18] : memref<10240xi32, #tpu.memory_space<vmem>> -> memref<40xi32, #tpu.memory_space<vmem>>
    %dma_start3A_20 = arith.constant 0 : i32
    %dma_start3A_21 = arith.constant 0 : i32
    %dma_start3A_22 = tpu.memref_slice %arg2[%dma_start3A_20, %dma_start3A_21] : memref<10240x128xf32, #tpu.memory_space<hbm>> -> memref<10240x128xf32, #tpu.memory_space<hbm>>
    tpu.enqueue_indirect_dma source(%dma_start3A_22 : memref<10240x128xf32, #tpu.memory_space<hbm>>) target(%arg10 : memref<40x128xf32, #tpu.memory_space<vmem>>) offsets(%dma_start3A_19 : memref<40xi32, #tpu.memory_space<vmem>>) semaphore(%arg14 : memref<!tpu.dma_semaphore, #tpu.memory_space<semaphore_mem>>)
    %dma_start3A_23 = arith.constant 80 : i32
    %dma_start3A_24 = tpu.memref_slice %arg6[%dma_start3A_23] : memref<10240xi32, #tpu.memory_space<vmem>> -> memref<40xi32, #tpu.memory_space<vmem>>
    %dma_start3A_25 = arith.constant 0 : i32
    %dma_start3A_26 = arith.constant 0 : i32
    %dma_start3A_27 = tpu.memref_slice %arg2[%dma_start3A_25, %dma_start3A_26] : memref<10240x128xf32, #tpu.memory_space<hbm>> -> memref<10240x128xf32, #tpu.memory_space<hbm>>
    tpu.enqueue_indirect_dma source(%dma_start3A_27 : memref<10240x128xf32, #tpu.memory_space<hbm>>) target(%arg11 : memref<40x128xf32, #tpu.memory_space<vmem>>) offsets(%dma_start3A_24 : memref<40xi32, #tpu.memory_space<vmem>>) semaphore(%arg15 : memref<!tpu.dma_semaphore, #tpu.memory_space<semaphore_mem>>)
    %dma_start3A_28 = arith.constant 120 : i32
    %dma_start3A_29 = tpu.memref_slice %arg6[%dma_start3A_28] : memref<10240xi32, #tpu.memory_space<vmem>> -> memref<40xi32, #tpu.memory_space<vmem>>
    %dma_start3A_30 = arith.constant 0 : i32
    %dma_start3A_31 = arith.constant 0 : i32
    %dma_start3A_32 = tpu.memref_slice %arg2[%dma_start3A_30, %dma_start3A_31] : memref<10240x128xf32, #tpu.memory_space<hbm>> -> memref<10240x128xf32, #tpu.memory_space<hbm>>
    tpu.enqueue_indirect_dma source(%dma_start3A_32 : memref<10240x128xf32, #tpu.memory_space<hbm>>) target(%arg12 : memref<40x128xf32, #tpu.memory_space<vmem>>) offsets(%dma_start3A_29 : memref<40xi32, #tpu.memory_space<vmem>>) semaphore(%arg16 : memref<!tpu.dma_semaphore, #tpu.memory_space<semaphore_mem>>)
    %scan3A_33 = arith.constant 0 : i32
    %scan3A_34 = arith.constant 0 : i32
    %scan3A_35 = arith.constant 64 : i32
    %scan3A_36 = arith.addi %scan3A_34, %scan3A_35 : i32
    %scan3A_37 = arith.constant 1 : i32
    scf.for %scan3A_40 = %scan3A_34 to %scan3A_36 step %scan3A_37  : i32 {
      %mul3A_41 = arith.constant 4 : i32
      %mul3A_42 = arith.muli %scan3A_40, %mul3A_41 : i32
      %add3A_43 = arith.constant 0 : i32
      %add3A_44 = arith.addi %mul3A_42, %add3A_43 : i32
      %dma_wait3A = arith.constant 0 : i32
      %dma_wait3A_45 = arith.constant 0 : i32
      %dma_wait3A_46 = tpu.memref_slice %arg2[%dma_wait3A, %dma_wait3A_45] : memref<10240x128xf32, #tpu.memory_space<hbm>> -> memref<40x128xf32, #tpu.memory_space<hbm>>
      %dma_wait3A_47 = arith.constant 0 : i32
      %dma_wait3A_48 = arith.constant 0 : i32
      %dma_wait3A_49 = tpu.memref_slice %arg2[%dma_wait3A_47, %dma_wait3A_48] : memref<10240x128xf32, #tpu.memory_space<hbm>> -> memref<40x128xf32, #tpu.memory_space<hbm>>
      tpu.wait_dma2 semaphore(%arg13 : memref<!tpu.dma_semaphore, #tpu.memory_space<semaphore_mem>>) src(%dma_wait3A_49 : memref<40x128xf32, #tpu.memory_space<hbm>>) dst(%arg9 : memref<40x128xf32, #tpu.memory_space<vmem>>)
      "tpu.region"() ({
        %run_scoped3A = tpu.sem_alloc : memref<!tpu.dma_semaphore, #tpu.memory_space<semaphore_mem>>
        %dma_start3A_105 = arith.constant 0 : i32
        %dma_start3A_106 = tpu.memref_slice %arg7[%add3A_44, %dma_start3A_105] : memref<256x40xi32, #tpu.memory_space<vmem>> -> memref<1x40xi32, #tpu.memory_space<vmem>>
        %dma_start3A_107 = tpu.memref_squeeze %dma_start3A_106 : memref<1x40xi32, #tpu.memory_space<vmem>> -> memref<40xi32, #tpu.memory_space<vmem>>
        %dma_start3A_108 = arith.constant 0 : i32
        %dma_start3A_109 = arith.constant 0 : i32
        %dma_start3A_110 = tpu.memref_slice %arg8[%dma_start3A_108, %dma_start3A_109] : memref<10240x128xf32, #tpu.memory_space<vmem_shared>> -> memref<10240x128xf32, #tpu.memory_space<vmem_shared>>
        tpu.enqueue_indirect_dma source(%arg9 : memref<40x128xf32, #tpu.memory_space<vmem>>) target(%dma_start3A_110 : memref<10240x128xf32, #tpu.memory_space<vmem_shared>>) offsets(%dma_start3A_107 : memref<40xi32, #tpu.memory_space<vmem>>) semaphore(%run_scoped3A : memref<!tpu.dma_semaphore, #tpu.memory_space<semaphore_mem>>) {add = true}
        %dma_wait3A_111 = arith.constant 0 : i32
        %dma_wait3A_112 = tpu.memref_slice %arg7[%add3A_44, %dma_wait3A_111] : memref<256x40xi32, #tpu.memory_space<vmem>> -> memref<1x40xi32, #tpu.memory_space<vmem>>
        %dma_wait3A_113 = tpu.memref_squeeze %dma_wait3A_112 : memref<1x40xi32, #tpu.memory_space<vmem>> -> memref<40xi32, #tpu.memory_space<vmem>>
        %dma_wait3A_114 = arith.constant 0 : i32
        %dma_wait3A_115 = arith.constant 0 : i32
        %dma_wait3A_116 = tpu.memref_slice %arg8[%dma_wait3A_114, %dma_wait3A_115] : memref<10240x128xf32, #tpu.memory_space<vmem_shared>> -> memref<10240x128xf32, #tpu.memory_space<vmem_shared>>
        tpu.wait_indirect_dma semaphore(%run_scoped3A : memref<!tpu.dma_semaphore, #tpu.memory_space<semaphore_mem>>) src(%arg9 : memref<40x128xf32, #tpu.memory_space<vmem>>) dst(%dma_wait3A_116 : memref<10240x128xf32, #tpu.memory_space<vmem_shared>>)
        tpu.yield
      }) : () -> ()
      %add3A_50 = arith.constant 4 : i32
      %add3A_51 = arith.addi %add3A_44, %add3A_50 : i32
      %lt3A = arith.constant 256 : i32
      %lt3A_52 = arith.cmpi slt, %add3A_51, %lt3A : i32
      %convert_element_type3A = arith.extui %lt3A_52 : i1 to i32
      %cond3A = arith.constant 0 : i32
      %cond3A_53 = arith.cmpi ne, %convert_element_type3A, %cond3A : i32
      scf.if %cond3A_53 {
        %add3A_105 = arith.constant 4 : i32
        %add3A_106 = arith.addi %add3A_44, %add3A_105 : i32
        %mul3A_107 = arith.constant 40 : i32
        %mul3A_108 = arith.muli %add3A_106, %mul3A_107 : i32
        %dma_start3A_109 = tpu.memref_slice %arg6[%mul3A_108] : memref<10240xi32, #tpu.memory_space<vmem>> -> memref<40xi32, #tpu.memory_space<vmem>>
        %dma_start3A_110 = arith.constant 0 : i32
        %dma_start3A_111 = arith.constant 0 : i32
        %dma_start3A_112 = tpu.memref_slice %arg2[%dma_start3A_110, %dma_start3A_111] : memref<10240x128xf32, #tpu.memory_space<hbm>> -> memref<10240x128xf32, #tpu.memory_space<hbm>>
        tpu.enqueue_indirect_dma source(%dma_start3A_112 : memref<10240x128xf32, #tpu.memory_space<hbm>>) target(%arg9 : memref<40x128xf32, #tpu.memory_space<vmem>>) offsets(%dma_start3A_109 : memref<40xi32, #tpu.memory_space<vmem>>) semaphore(%arg13 : memref<!tpu.dma_semaphore, #tpu.memory_space<semaphore_mem>>)
      } else {
      }
      %mul3A_54 = arith.constant 4 : i32
      %mul3A_55 = arith.muli %scan3A_40, %mul3A_54 : i32
      %add3A_56 = arith.constant 1 : i32
      %add3A_57 = arith.addi %mul3A_55, %add3A_56 : i32
      %dma_wait3A_58 = arith.constant 0 : i32
      %dma_wait3A_59 = arith.constant 0 : i32
      %dma_wait3A_60 = tpu.memref_slice %arg2[%dma_wait3A_58, %dma_wait3A_59] : memref<10240x128xf32, #tpu.memory_space<hbm>> -> memref<40x128xf32, #tpu.memory_space<hbm>>
      %dma_wait3A_61 = arith.constant 0 : i32
      %dma_wait3A_62 = arith.constant 0 : i32
      %dma_wait3A_63 = tpu.memref_slice %arg2[%dma_wait3A_61, %dma_wait3A_62] : memref<10240x128xf32, #tpu.memory_space<hbm>> -> memref<40x128xf32, #tpu.memory_space<hbm>>
      tpu.wait_dma2 semaphore(%arg14 : memref<!tpu.dma_semaphore, #tpu.memory_space<semaphore_mem>>) src(%dma_wait3A_63 : memref<40x128xf32, #tpu.memory_space<hbm>>) dst(%arg10 : memref<40x128xf32, #tpu.memory_space<vmem>>)
      "tpu.region"() ({
        %run_scoped3A = tpu.sem_alloc : memref<!tpu.dma_semaphore, #tpu.memory_space<semaphore_mem>>
        %dma_start3A_105 = arith.constant 0 : i32
        %dma_start3A_106 = tpu.memref_slice %arg7[%add3A_57, %dma_start3A_105] : memref<256x40xi32, #tpu.memory_space<vmem>> -> memref<1x40xi32, #tpu.memory_space<vmem>>
        %dma_start3A_107 = tpu.memref_squeeze %dma_start3A_106 : memref<1x40xi32, #tpu.memory_space<vmem>> -> memref<40xi32, #tpu.memory_space<vmem>>
        %dma_start3A_108 = arith.constant 0 : i32
        %dma_start3A_109 = arith.constant 0 : i32
        %dma_start3A_110 = tpu.memref_slice %arg8[%dma_start3A_108, %dma_start3A_109] : memref<10240x128xf32, #tpu.memory_space<vmem_shared>> -> memref<10240x128xf32, #tpu.memory_space<vmem_shared>>
        tpu.enqueue_indirect_dma source(%arg10 : memref<40x128xf32, #tpu.memory_space<vmem>>) target(%dma_start3A_110 : memref<10240x128xf32, #tpu.memory_space<vmem_shared>>) offsets(%dma_start3A_107 : memref<40xi32, #tpu.memory_space<vmem>>) semaphore(%run_scoped3A : memref<!tpu.dma_semaphore, #tpu.memory_space<semaphore_mem>>) {add = true}
        %dma_wait3A_111 = arith.constant 0 : i32
        %dma_wait3A_112 = tpu.memref_slice %arg7[%add3A_57, %dma_wait3A_111] : memref<256x40xi32, #tpu.memory_space<vmem>> -> memref<1x40xi32, #tpu.memory_space<vmem>>
        %dma_wait3A_113 = tpu.memref_squeeze %dma_wait3A_112 : memref<1x40xi32, #tpu.memory_space<vmem>> -> memref<40xi32, #tpu.memory_space<vmem>>
        %dma_wait3A_114 = arith.constant 0 : i32
        %dma_wait3A_115 = arith.constant 0 : i32
        %dma_wait3A_116 = tpu.memref_slice %arg8[%dma_wait3A_114, %dma_wait3A_115] : memref<10240x128xf32, #tpu.memory_space<vmem_shared>> -> memref<10240x128xf32, #tpu.memory_space<vmem_shared>>
        tpu.wait_indirect_dma semaphore(%run_scoped3A : memref<!tpu.dma_semaphore, #tpu.memory_space<semaphore_mem>>) src(%arg10 : memref<40x128xf32, #tpu.memory_space<vmem>>) dst(%dma_wait3A_116 : memref<10240x128xf32, #tpu.memory_space<vmem_shared>>)
        tpu.yield
      }) : () -> ()
      %add3A_64 = arith.constant 4 : i32
      %add3A_65 = arith.addi %add3A_57, %add3A_64 : i32
      %lt3A_66 = arith.constant 256 : i32
      %lt3A_67 = arith.cmpi slt, %add3A_65, %lt3A_66 : i32
      %convert_element_type3A_68 = arith.extui %lt3A_67 : i1 to i32
      %cond3A_69 = arith.constant 0 : i32
      %cond3A_70 = arith.cmpi ne, %convert_element_type3A_68, %cond3A_69 : i32
      scf.if %cond3A_70 {
        %add3A_105 = arith.constant 4 : i32
        %add3A_106 = arith.addi %add3A_57, %add3A_105 : i32
        %mul3A_107 = arith.constant 40 : i32
        %mul3A_108 = arith.muli %add3A_106, %mul3A_107 : i32
        %dma_start3A_109 = tpu.memref_slice %arg6[%mul3A_108] : memref<10240xi32, #tpu.memory_space<vmem>> -> memref<40xi32, #tpu.memory_space<vmem>>
        %dma_start3A_110 = arith.constant 0 : i32
        %dma_start3A_111 = arith.constant 0 : i32
        %dma_start3A_112 = tpu.memref_slice %arg2[%dma_start3A_110, %dma_start3A_111] : memref<10240x128xf32, #tpu.memory_space<hbm>> -> memref<10240x128xf32, #tpu.memory_space<hbm>>
        tpu.enqueue_indirect_dma source(%dma_start3A_112 : memref<10240x128xf32, #tpu.memory_space<hbm>>) target(%arg10 : memref<40x128xf32, #tpu.memory_space<vmem>>) offsets(%dma_start3A_109 : memref<40xi32, #tpu.memory_space<vmem>>) semaphore(%arg14 : memref<!tpu.dma_semaphore, #tpu.memory_space<semaphore_mem>>)
      } else {
      }
      %mul3A_71 = arith.constant 4 : i32
      %mul3A_72 = arith.muli %scan3A_40, %mul3A_71 : i32
      %add3A_73 = arith.constant 2 : i32
      %add3A_74 = arith.addi %mul3A_72, %add3A_73 : i32
      %dma_wait3A_75 = arith.constant 0 : i32
      %dma_wait3A_76 = arith.constant 0 : i32
      %dma_wait3A_77 = tpu.memref_slice %arg2[%dma_wait3A_75, %dma_wait3A_76] : memref<10240x128xf32, #tpu.memory_space<hbm>> -> memref<40x128xf32, #tpu.memory_space<hbm>>
      %dma_wait3A_78 = arith.constant 0 : i32
      %dma_wait3A_79 = arith.constant 0 : i32
      %dma_wait3A_80 = tpu.memref_slice %arg2[%dma_wait3A_78, %dma_wait3A_79] : memref<10240x128xf32, #tpu.memory_space<hbm>> -> memref<40x128xf32, #tpu.memory_space<hbm>>
      tpu.wait_dma2 semaphore(%arg15 : memref<!tpu.dma_semaphore, #tpu.memory_space<semaphore_mem>>) src(%dma_wait3A_80 : memref<40x128xf32, #tpu.memory_space<hbm>>) dst(%arg11 : memref<40x128xf32, #tpu.memory_space<vmem>>)
      "tpu.region"() ({
        %run_scoped3A = tpu.sem_alloc : memref<!tpu.dma_semaphore, #tpu.memory_space<semaphore_mem>>
        %dma_start3A_105 = arith.constant 0 : i32
        %dma_start3A_106 = tpu.memref_slice %arg7[%add3A_74, %dma_start3A_105] : memref<256x40xi32, #tpu.memory_space<vmem>> -> memref<1x40xi32, #tpu.memory_space<vmem>>
        %dma_start3A_107 = tpu.memref_squeeze %dma_start3A_106 : memref<1x40xi32, #tpu.memory_space<vmem>> -> memref<40xi32, #tpu.memory_space<vmem>>
        %dma_start3A_108 = arith.constant 0 : i32
        %dma_start3A_109 = arith.constant 0 : i32
        %dma_start3A_110 = tpu.memref_slice %arg8[%dma_start3A_108, %dma_start3A_109] : memref<10240x128xf32, #tpu.memory_space<vmem_shared>> -> memref<10240x128xf32, #tpu.memory_space<vmem_shared>>
        tpu.enqueue_indirect_dma source(%arg11 : memref<40x128xf32, #tpu.memory_space<vmem>>) target(%dma_start3A_110 : memref<10240x128xf32, #tpu.memory_space<vmem_shared>>) offsets(%dma_start3A_107 : memref<40xi32, #tpu.memory_space<vmem>>) semaphore(%run_scoped3A : memref<!tpu.dma_semaphore, #tpu.memory_space<semaphore_mem>>) {add = true}
        %dma_wait3A_111 = arith.constant 0 : i32
        %dma_wait3A_112 = tpu.memref_slice %arg7[%add3A_74, %dma_wait3A_111] : memref<256x40xi32, #tpu.memory_space<vmem>> -> memref<1x40xi32, #tpu.memory_space<vmem>>
        %dma_wait3A_113 = tpu.memref_squeeze %dma_wait3A_112 : memref<1x40xi32, #tpu.memory_space<vmem>> -> memref<40xi32, #tpu.memory_space<vmem>>
        %dma_wait3A_114 = arith.constant 0 : i32
        %dma_wait3A_115 = arith.constant 0 : i32
        %dma_wait3A_116 = tpu.memref_slice %arg8[%dma_wait3A_114, %dma_wait3A_115] : memref<10240x128xf32, #tpu.memory_space<vmem_shared>> -> memref<10240x128xf32, #tpu.memory_space<vmem_shared>>
        tpu.wait_indirect_dma semaphore(%run_scoped3A : memref<!tpu.dma_semaphore, #tpu.memory_space<semaphore_mem>>) src(%arg11 : memref<40x128xf32, #tpu.memory_space<vmem>>) dst(%dma_wait3A_116 : memref<10240x128xf32, #tpu.memory_space<vmem_shared>>)
        tpu.yield
      }) : () -> ()
      %add3A_81 = arith.constant 4 : i32
      %add3A_82 = arith.addi %add3A_74, %add3A_81 : i32
      %lt3A_83 = arith.constant 256 : i32
      %lt3A_84 = arith.cmpi slt, %add3A_82, %lt3A_83 : i32
      %convert_element_type3A_85 = arith.extui %lt3A_84 : i1 to i32
      %cond3A_86 = arith.constant 0 : i32
      %cond3A_87 = arith.cmpi ne, %convert_element_type3A_85, %cond3A_86 : i32
      scf.if %cond3A_87 {
        %add3A_105 = arith.constant 4 : i32
        %add3A_106 = arith.addi %add3A_74, %add3A_105 : i32
        %mul3A_107 = arith.constant 40 : i32
        %mul3A_108 = arith.muli %add3A_106, %mul3A_107 : i32
        %dma_start3A_109 = tpu.memref_slice %arg6[%mul3A_108] : memref<10240xi32, #tpu.memory_space<vmem>> -> memref<40xi32, #tpu.memory_space<vmem>>
        %dma_start3A_110 = arith.constant 0 : i32
        %dma_start3A_111 = arith.constant 0 : i32
        %dma_start3A_112 = tpu.memref_slice %arg2[%dma_start3A_110, %dma_start3A_111] : memref<10240x128xf32, #tpu.memory_space<hbm>> -> memref<10240x128xf32, #tpu.memory_space<hbm>>
        tpu.enqueue_indirect_dma source(%dma_start3A_112 : memref<10240x128xf32, #tpu.memory_space<hbm>>) target(%arg11 : memref<40x128xf32, #tpu.memory_space<vmem>>) offsets(%dma_start3A_109 : memref<40xi32, #tpu.memory_space<vmem>>) semaphore(%arg15 : memref<!tpu.dma_semaphore, #tpu.memory_space<semaphore_mem>>)
      } else {
      }
      %mul3A_88 = arith.constant 4 : i32
      %mul3A_89 = arith.muli %scan3A_40, %mul3A_88 : i32
      %add3A_90 = arith.constant 3 : i32
      %add3A_91 = arith.addi %mul3A_89, %add3A_90 : i32
      %dma_wait3A_92 = arith.constant 0 : i32
      %dma_wait3A_93 = arith.constant 0 : i32
      %dma_wait3A_94 = tpu.memref_slice %arg2[%dma_wait3A_92, %dma_wait3A_93] : memref<10240x128xf32, #tpu.memory_space<hbm>> -> memref<40x128xf32, #tpu.memory_space<hbm>>
      %dma_wait3A_95 = arith.constant 0 : i32
      %dma_wait3A_96 = arith.constant 0 : i32
      %dma_wait3A_97 = tpu.memref_slice %arg2[%dma_wait3A_95, %dma_wait3A_96] : memref<10240x128xf32, #tpu.memory_space<hbm>> -> memref<40x128xf32, #tpu.memory_space<hbm>>
      tpu.wait_dma2 semaphore(%arg16 : memref<!tpu.dma_semaphore, #tpu.memory_space<semaphore_mem>>) src(%dma_wait3A_97 : memref<40x128xf32, #tpu.memory_space<hbm>>) dst(%arg12 : memref<40x128xf32, #tpu.memory_space<vmem>>)
      "tpu.region"() ({
        %run_scoped3A = tpu.sem_alloc : memref<!tpu.dma_semaphore, #tpu.memory_space<semaphore_mem>>
        %dma_start3A_105 = arith.constant 0 : i32
        %dma_start3A_106 = tpu.memref_slice %arg7[%add3A_91, %dma_start3A_105] : memref<256x40xi32, #tpu.memory_space<vmem>> -> memref<1x40xi32, #tpu.memory_space<vmem>>
        %dma_start3A_107 = tpu.memref_squeeze %dma_start3A_106 : memref<1x40xi32, #tpu.memory_space<vmem>> -> memref<40xi32, #tpu.memory_space<vmem>>
        %dma_start3A_108 = arith.constant 0 : i32
        %dma_start3A_109 = arith.constant 0 : i32
        %dma_start3A_110 = tpu.memref_slice %arg8[%dma_start3A_108, %dma_start3A_109] : memref<10240x128xf32, #tpu.memory_space<vmem_shared>> -> memref<10240x128xf32, #tpu.memory_space<vmem_shared>>
        tpu.enqueue_indirect_dma source(%arg12 : memref<40x128xf32, #tpu.memory_space<vmem>>) target(%dma_start3A_110 : memref<10240x128xf32, #tpu.memory_space<vmem_shared>>) offsets(%dma_start3A_107 : memref<40xi32, #tpu.memory_space<vmem>>) semaphore(%run_scoped3A : memref<!tpu.dma_semaphore, #tpu.memory_space<semaphore_mem>>) {add = true}
        %dma_wait3A_111 = arith.constant 0 : i32
        %dma_wait3A_112 = tpu.memref_slice %arg7[%add3A_91, %dma_wait3A_111] : memref<256x40xi32, #tpu.memory_space<vmem>> -> memref<1x40xi32, #tpu.memory_space<vmem>>
        %dma_wait3A_113 = tpu.memref_squeeze %dma_wait3A_112 : memref<1x40xi32, #tpu.memory_space<vmem>> -> memref<40xi32, #tpu.memory_space<vmem>>
        %dma_wait3A_114 = arith.constant 0 : i32
        %dma_wait3A_115 = arith.constant 0 : i32
        %dma_wait3A_116 = tpu.memref_slice %arg8[%dma_wait3A_114, %dma_wait3A_115] : memref<10240x128xf32, #tpu.memory_space<vmem_shared>> -> memref<10240x128xf32, #tpu.memory_space<vmem_shared>>
        tpu.wait_indirect_dma semaphore(%run_scoped3A : memref<!tpu.dma_semaphore, #tpu.memory_space<semaphore_mem>>) src(%arg12 : memref<40x128xf32, #tpu.memory_space<vmem>>) dst(%dma_wait3A_116 : memref<10240x128xf32, #tpu.memory_space<vmem_shared>>)
        tpu.yield
      }) : () -> ()
      %add3A_98 = arith.constant 4 : i32
      %add3A_99 = arith.addi %add3A_91, %add3A_98 : i32
      %lt3A_100 = arith.constant 256 : i32
      %lt3A_101 = arith.cmpi slt, %add3A_99, %lt3A_100 : i32
      %convert_element_type3A_102 = arith.extui %lt3A_101 : i1 to i32
      %cond3A_103 = arith.constant 0 : i32
      %cond3A_104 = arith.cmpi ne, %convert_element_type3A_102, %cond3A_103 : i32
      scf.if %cond3A_104 {
        %add3A_105 = arith.constant 4 : i32
        %add3A_106 = arith.addi %add3A_91, %add3A_105 : i32
        %mul3A_107 = arith.constant 40 : i32
        %mul3A_108 = arith.muli %add3A_106, %mul3A_107 : i32
        %dma_start3A_109 = tpu.memref_slice %arg6[%mul3A_108] : memref<10240xi32, #tpu.memory_space<vmem>> -> memref<40xi32, #tpu.memory_space<vmem>>
        %dma_start3A_110 = arith.constant 0 : i32
        %dma_start3A_111 = arith.constant 0 : i32
        %dma_start3A_112 = tpu.memref_slice %arg2[%dma_start3A_110, %dma_start3A_111] : memref<10240x128xf32, #tpu.memory_space<hbm>> -> memref<10240x128xf32, #tpu.memory_space<hbm>>
        tpu.enqueue_indirect_dma source(%dma_start3A_112 : memref<10240x128xf32, #tpu.memory_space<hbm>>) target(%arg12 : memref<40x128xf32, #tpu.memory_space<vmem>>) offsets(%dma_start3A_109 : memref<40xi32, #tpu.memory_space<vmem>>) semaphore(%arg16 : memref<!tpu.dma_semaphore, #tpu.memory_space<semaphore_mem>>)
      } else {
      }
    }
    %scan3A_38 = arith.constant 64 : i32
    %barrier3A_39 = arith.constant 0 : index
    tpu.barrier barrier_id(%barrier3A_39)
    "tpu.region"() ({
      %run_scoped3A = tpu.sem_alloc : memref<!tpu.dma_semaphore, #tpu.memory_space<semaphore_mem>>
      %dma_start3A_40 = arith.constant 0 : i32
      %dma_start3A_41 = tpu.memref_slice %arg5[%arg0, %mul3A_7, %dma_start3A_40] : memref<2x10240x128xf32, #tpu.memory_space<hbm>> -> memref<1x640x128xf32, #tpu.memory_space<hbm>>
      %dma_start3A_42 = tpu.memref_squeeze %dma_start3A_41 : memref<1x640x128xf32, #tpu.memory_space<hbm>> -> memref<640x128xf32, #tpu.memory_space<hbm>>
      %dma_start3A_43 = arith.constant 0 : i32
      %dma_start3A_44 = tpu.memref_slice %arg8[%mul3A_7, %dma_start3A_43] : memref<10240x128xf32, #tpu.memory_space<vmem_shared>> -> memref<640x128xf32, #tpu.memory_space<vmem_shared>>
      tpu.enqueue_dma source(%dma_start3A_44 : memref<640x128xf32, #tpu.memory_space<vmem_shared>>) target(%dma_start3A_42 : memref<640x128xf32, #tpu.memory_space<hbm>>) target_semaphore(%run_scoped3A : memref<!tpu.dma_semaphore, #tpu.memory_space<semaphore_mem>>)
      %dma_wait3A = arith.constant 0 : i32
      %dma_wait3A_45 = tpu.memref_slice %arg5[%arg0, %mul3A_7, %dma_wait3A] : memref<2x10240x128xf32, #tpu.memory_space<hbm>> -> memref<1x640x128xf32, #tpu.memory_space<hbm>>
      %dma_wait3A_46 = tpu.memref_squeeze %dma_wait3A_45 : memref<1x640x128xf32, #tpu.memory_space<hbm>> -> memref<640x128xf32, #tpu.memory_space<hbm>>
      %dma_wait3A_47 = arith.constant 0 : i32
      %dma_wait3A_48 = tpu.memref_slice %arg8[%mul3A_7, %dma_wait3A_47] : memref<10240x128xf32, #tpu.memory_space<vmem_shared>> -> memref<640x128xf32, #tpu.memory_space<vmem_shared>>
      tpu.wait_dma2 semaphore(%run_scoped3A : memref<!tpu.dma_semaphore, #tpu.memory_space<semaphore_mem>>) src(%dma_wait3A_48 : memref<640x128xf32, #tpu.memory_space<vmem_shared>>) dst(%dma_wait3A_46 : memref<640x128xf32, #tpu.memory_space<hbm>>)
      tpu.yield
    }) : () -> ()
    return
  }
}

#map = affine_map<(d0, d1) -> (0, 0)>
#map1 = affine_map<(d0, d1) -> (0, 0, 0)>
module attributes {stable_mosaic.version = 14 : i64} {
  func.func @kern(%arg0: i32, %arg1: i32, %arg2: memref<10240x16xf32, #tpu.memory_space<hbm>>, %arg3: memref<32x10240xi32, #tpu.memory_space<hbm>>, %arg4: memref<32x80x128xi32, #tpu.memory_space<hbm>>, %arg5: memref<2x10240x16xf32, #tpu.memory_space<hbm>>, %arg6: memref<10240xi32, #tpu.memory_space<vmem>>, %arg7: memref<80x128xi32, #tpu.memory_space<vmem>>, %arg8: memref<10240x16xf32, #tpu.memory_space<vmem_shared>>, %arg9: memref<128x16xf32, #tpu.memory_space<vmem>>, %arg10: memref<128x16xf32, #tpu.memory_space<vmem>>, %arg11: memref<128x16xf32, #tpu.memory_space<vmem>>, %arg12: memref<128x16xf32, #tpu.memory_space<vmem>>, %arg13: memref<!tpu.dma_semaphore, #tpu.memory_space<semaphore_mem>>, %arg14: memref<!tpu.dma_semaphore, #tpu.memory_space<semaphore_mem>>, %arg15: memref<!tpu.dma_semaphore, #tpu.memory_space<semaphore_mem>>, %arg16: memref<!tpu.dma_semaphore, #tpu.memory_space<semaphore_mem>>, %arg17: memref<10240x16xf32, #tpu.memory_space<vmem_shared>>) attributes {dimension_semantics = [#tpu.dimension_semantics<core_parallel>, #tpu.dimension_semantics<subcore_parallel>], iteration_bounds = array<i64: 2, 16>, scalar_prefetch = 0 : i64, scratch_operands = 12 : i64, tpu.core_type = #tpu.core_type<sc_vector_subcore>, window_params = [{transform_indices = #map}, {transform_indices = #map}, {transform_indices = #map1}, {transform_indices = #map1}]} {
    %mul3A = arith.constant 16 : i32
    %mul3A_0 = arith.muli %arg0, %mul3A : i32
    %add3A = arith.addi %mul3A_0, %arg1 : i32
    %scan3A = arith.constant 0 : i32
    %scan3A_1 = arith.constant 0 : i32
    %scan3A_2 = arith.constant 128 : i32
    %scan3A_3 = arith.addi %scan3A_1, %scan3A_2 : i32
    %scan3A_4 = arith.constant 1 : i32
    scf.for %scan3A_40 = %scan3A_1 to %scan3A_3 step %scan3A_4  : i32 {
      %broadcast_in_dim3A = arith.constant 0.000000e+00 : f32
      %broadcast_in_dim3A_41 = vector.broadcast %broadcast_in_dim3A : f32 to vector<16xf32>
      %swap3A = arith.index_cast %scan3A_40 : i32 to index
      %swap3A_42 = arith.constant 0 : index
      %swap3A_43 = tpu.vector_load %arg12[%swap3A, %swap3A_42] {strides = array<i32>} : memref<128x16xf32, #tpu.memory_space<vmem>>, vector<1x16xf32>,
      %swap3A_44 = vector.shape_cast %swap3A_43 : vector<1x16xf32> to vector<16xf32>
      %swap3A_45 = vector.shape_cast %broadcast_in_dim3A_41 : vector<16xf32> to vector<1x16xf32>
      tpu.vector_store %arg12[%swap3A, %swap3A_42], %swap3A_45 {strides = array<i32>} : memref<128x16xf32, #tpu.memory_space<vmem>>, vector<1x16xf32>,
    }
    %scan3A_5 = arith.constant 128 : i32
    %mul3A_6 = arith.constant 640 : i32
    %mul3A_7 = arith.muli %arg1, %mul3A_6 : i32
    %scan3A_8 = arith.constant 0 : i32
    %scan3A_9 = arith.constant 0 : i32
    %scan3A_10 = arith.constant 5 : i32
    %scan3A_11 = arith.addi %scan3A_9, %scan3A_10 : i32
    %scan3A_12 = arith.constant 1 : i32
    scf.for %scan3A_40 = %scan3A_9 to %scan3A_11 step %scan3A_12  : i32 {
      %mul3A_41 = arith.constant 128 : i32
      %mul3A_42 = arith.muli %scan3A_40, %mul3A_41 : i32
      %add3A_43 = arith.addi %mul3A_7, %mul3A_42 : i32
      "tpu.region"() ({
        %run_scoped3A = tpu.sem_alloc : memref<!tpu.dma_semaphore, #tpu.memory_space<semaphore_mem>>
        %dma_start3A_44 = arith.constant 0 : i32
        %dma_start3A_45 = tpu.memref_slice %arg8[%add3A_43, %dma_start3A_44] : memref<10240x16xf32, #tpu.memory_space<vmem_shared>> -> memref<128x16xf32, #tpu.memory_space<vmem_shared>>
        %dma_start3A_46 = arith.constant 0 : i32
        %dma_start3A_47 = tpu.memref_slice %arg8[%add3A_43, %dma_start3A_46] : memref<10240x16xf32, #tpu.memory_space<vmem_shared>> -> memref<128x16xf32, #tpu.memory_space<vmem_shared>>
        tpu.enqueue_dma source(%arg12 : memref<128x16xf32, #tpu.memory_space<vmem>>) target(%dma_start3A_47 : memref<128x16xf32, #tpu.memory_space<vmem_shared>>) target_semaphore(%run_scoped3A : memref<!tpu.dma_semaphore, #tpu.memory_space<semaphore_mem>>)
        %dma_wait3A = arith.constant 0 : i32
        %dma_wait3A_48 = tpu.memref_slice %arg8[%add3A_43, %dma_wait3A] : memref<10240x16xf32, #tpu.memory_space<vmem_shared>> -> memref<128x16xf32, #tpu.memory_space<vmem_shared>>
        %dma_wait3A_49 = arith.constant 0 : i32
        %dma_wait3A_50 = tpu.memref_slice %arg8[%add3A_43, %dma_wait3A_49] : memref<10240x16xf32, #tpu.memory_space<vmem_shared>> -> memref<128x16xf32, #tpu.memory_space<vmem_shared>>
        tpu.wait_dma2 semaphore(%run_scoped3A : memref<!tpu.dma_semaphore, #tpu.memory_space<semaphore_mem>>) src(%arg12 : memref<128x16xf32, #tpu.memory_space<vmem>>) dst(%dma_wait3A_50 : memref<128x16xf32, #tpu.memory_space<vmem_shared>>)
        tpu.yield
      }) : () -> ()
    }
    %scan3A_13 = arith.constant 5 : i32
    "tpu.region"() ({
      %run_scoped3A = tpu.sem_alloc : memref<!tpu.dma_semaphore, #tpu.memory_space<semaphore_mem>>
      %dma_start3A_40 = arith.constant 0 : i32
      %dma_start3A_41 = arith.constant 0 : i32
      %dma_start3A_42 = tpu.memref_slice %arg4[%add3A, %dma_start3A_40, %dma_start3A_41] : memref<32x80x128xi32, #tpu.memory_space<hbm>> -> memref<1x80x128xi32, #tpu.memory_space<hbm>>
      %dma_start3A_43 = tpu.memref_squeeze %dma_start3A_42 : memref<1x80x128xi32, #tpu.memory_space<hbm>> -> memref<80x128xi32, #tpu.memory_space<hbm>>
      %dma_start3A_44 = arith.constant 0 : i32
      %dma_start3A_45 = arith.constant 0 : i32
      %dma_start3A_46 = tpu.memref_slice %arg4[%add3A, %dma_start3A_44, %dma_start3A_45] : memref<32x80x128xi32, #tpu.memory_space<hbm>> -> memref<1x80x128xi32, #tpu.memory_space<hbm>>
      %dma_start3A_47 = tpu.memref_squeeze %dma_start3A_46 : memref<1x80x128xi32, #tpu.memory_space<hbm>> -> memref<80x128xi32, #tpu.memory_space<hbm>>
      tpu.enqueue_dma source(%dma_start3A_47 : memref<80x128xi32, #tpu.memory_space<hbm>>) target(%arg7 : memref<80x128xi32, #tpu.memory_space<vmem>>) target_semaphore(%run_scoped3A : memref<!tpu.dma_semaphore, #tpu.memory_space<semaphore_mem>>)
      %dma_wait3A = arith.constant 0 : i32
      %dma_wait3A_48 = arith.constant 0 : i32
      %dma_wait3A_49 = tpu.memref_slice %arg4[%add3A, %dma_wait3A, %dma_wait3A_48] : memref<32x80x128xi32, #tpu.memory_space<hbm>> -> memref<1x80x128xi32, #tpu.memory_space<hbm>>
      %dma_wait3A_50 = tpu.memref_squeeze %dma_wait3A_49 : memref<1x80x128xi32, #tpu.memory_space<hbm>> -> memref<80x128xi32, #tpu.memory_space<hbm>>
      %dma_wait3A_51 = arith.constant 0 : i32
      %dma_wait3A_52 = arith.constant 0 : i32
      %dma_wait3A_53 = tpu.memref_slice %arg4[%add3A, %dma_wait3A_51, %dma_wait3A_52] : memref<32x80x128xi32, #tpu.memory_space<hbm>> -> memref<1x80x128xi32, #tpu.memory_space<hbm>>
      %dma_wait3A_54 = tpu.memref_squeeze %dma_wait3A_53 : memref<1x80x128xi32, #tpu.memory_space<hbm>> -> memref<80x128xi32, #tpu.memory_space<hbm>>
      tpu.wait_dma2 semaphore(%run_scoped3A : memref<!tpu.dma_semaphore, #tpu.memory_space<semaphore_mem>>) src(%dma_wait3A_54 : memref<80x128xi32, #tpu.memory_space<hbm>>) dst(%arg7 : memref<80x128xi32, #tpu.memory_space<vmem>>)
      tpu.yield
    }) : () -> ()
    "tpu.region"() ({
      %run_scoped3A = tpu.sem_alloc : memref<!tpu.dma_semaphore, #tpu.memory_space<semaphore_mem>>
      %dma_start3A_40 = arith.constant 0 : i32
      %dma_start3A_41 = tpu.memref_slice %arg3[%add3A, %dma_start3A_40] : memref<32x10240xi32, #tpu.memory_space<hbm>> -> memref<1x10240xi32, #tpu.memory_space<hbm>>
      %dma_start3A_42 = tpu.memref_squeeze %dma_start3A_41 : memref<1x10240xi32, #tpu.memory_space<hbm>> -> memref<10240xi32, #tpu.memory_space<hbm>>
      %dma_start3A_43 = arith.constant 0 : i32
      %dma_start3A_44 = tpu.memref_slice %arg3[%add3A, %dma_start3A_43] : memref<32x10240xi32, #tpu.memory_space<hbm>> -> memref<1x10240xi32, #tpu.memory_space<hbm>>
      %dma_start3A_45 = tpu.memref_squeeze %dma_start3A_44 : memref<1x10240xi32, #tpu.memory_space<hbm>> -> memref<10240xi32, #tpu.memory_space<hbm>>
      tpu.enqueue_dma source(%dma_start3A_45 : memref<10240xi32, #tpu.memory_space<hbm>>) target(%arg6 : memref<10240xi32, #tpu.memory_space<vmem>>) target_semaphore(%run_scoped3A : memref<!tpu.dma_semaphore, #tpu.memory_space<semaphore_mem>>)
      %dma_wait3A = arith.constant 0 : i32
      %dma_wait3A_46 = tpu.memref_slice %arg3[%add3A, %dma_wait3A] : memref<32x10240xi32, #tpu.memory_space<hbm>> -> memref<1x10240xi32, #tpu.memory_space<hbm>>
      %dma_wait3A_47 = tpu.memref_squeeze %dma_wait3A_46 : memref<1x10240xi32, #tpu.memory_space<hbm>> -> memref<10240xi32, #tpu.memory_space<hbm>>
      %dma_wait3A_48 = arith.constant 0 : i32
      %dma_wait3A_49 = tpu.memref_slice %arg3[%add3A, %dma_wait3A_48] : memref<32x10240xi32, #tpu.memory_space<hbm>> -> memref<1x10240xi32, #tpu.memory_space<hbm>>
      %dma_wait3A_50 = tpu.memref_squeeze %dma_wait3A_49 : memref<1x10240xi32, #tpu.memory_space<hbm>> -> memref<10240xi32, #tpu.memory_space<hbm>>
      tpu.wait_dma2 semaphore(%run_scoped3A : memref<!tpu.dma_semaphore, #tpu.memory_space<semaphore_mem>>) src(%dma_wait3A_50 : memref<10240xi32, #tpu.memory_space<hbm>>) dst(%arg6 : memref<10240xi32, #tpu.memory_space<vmem>>)
      tpu.yield
    }) : () -> ()
    "tpu.region"() ({
      %run_scoped3A = tpu.sem_alloc : memref<!tpu.dma_semaphore, #tpu.memory_space<semaphore_mem>>
      %dma_start3A_40 = arith.constant 0 : i32
      %dma_start3A_41 = tpu.memref_slice %arg17[%mul3A_7, %dma_start3A_40] : memref<10240x16xf32, #tpu.memory_space<vmem_shared>> -> memref<640x16xf32, #tpu.memory_space<vmem_shared>>
      %dma_start3A_42 = arith.constant 0 : i32
      %dma_start3A_43 = tpu.memref_slice %arg2[%mul3A_7, %dma_start3A_42] : memref<10240x16xf32, #tpu.memory_space<hbm>> -> memref<640x16xf32, #tpu.memory_space<hbm>>
      tpu.enqueue_dma source(%dma_start3A_43 : memref<640x16xf32, #tpu.memory_space<hbm>>) target(%dma_start3A_41 : memref<640x16xf32, #tpu.memory_space<vmem_shared>>) target_semaphore(%run_scoped3A : memref<!tpu.dma_semaphore, #tpu.memory_space<semaphore_mem>>)
      %dma_wait3A = arith.constant 0 : i32
      %dma_wait3A_44 = tpu.memref_slice %arg17[%mul3A_7, %dma_wait3A] : memref<10240x16xf32, #tpu.memory_space<vmem_shared>> -> memref<640x16xf32, #tpu.memory_space<vmem_shared>>
      %dma_wait3A_45 = arith.constant 0 : i32
      %dma_wait3A_46 = tpu.memref_slice %arg2[%mul3A_7, %dma_wait3A_45] : memref<10240x16xf32, #tpu.memory_space<hbm>> -> memref<640x16xf32, #tpu.memory_space<hbm>>
      tpu.wait_dma2 semaphore(%run_scoped3A : memref<!tpu.dma_semaphore, #tpu.memory_space<semaphore_mem>>) src(%dma_wait3A_46 : memref<640x16xf32, #tpu.memory_space<hbm>>) dst(%dma_wait3A_44 : memref<640x16xf32, #tpu.memory_space<vmem_shared>>)
      tpu.yield
    }) : () -> ()
    %barrier3A = arith.constant 0 : index
    tpu.barrier barrier_id(%barrier3A)
    %dma_start3A = arith.constant 0 : i32
    %dma_start3A_14 = tpu.memref_slice %arg6[%dma_start3A] : memref<10240xi32, #tpu.memory_space<vmem>> -> memref<128xi32, #tpu.memory_space<vmem>>
    %dma_start3A_15 = arith.constant 0 : i32
    %dma_start3A_16 = arith.constant 0 : i32
    %dma_start3A_17 = tpu.memref_slice %arg17[%dma_start3A_15, %dma_start3A_16] : memref<10240x16xf32, #tpu.memory_space<vmem_shared>> -> memref<10240x16xf32, #tpu.memory_space<vmem_shared>>
    tpu.enqueue_indirect_dma source(%dma_start3A_17 : memref<10240x16xf32, #tpu.memory_space<vmem_shared>>) target(%arg9 : memref<128x16xf32, #tpu.memory_space<vmem>>) offsets(%dma_start3A_14 : memref<128xi32, #tpu.memory_space<vmem>>) semaphore(%arg13 : memref<!tpu.dma_semaphore, #tpu.memory_space<semaphore_mem>>)
    %dma_start3A_18 = arith.constant 128 : i32
    %dma_start3A_19 = tpu.memref_slice %arg6[%dma_start3A_18] : memref<10240xi32, #tpu.memory_space<vmem>> -> memref<128xi32, #tpu.memory_space<vmem>>
    %dma_start3A_20 = arith.constant 0 : i32
    %dma_start3A_21 = arith.constant 0 : i32
    %dma_start3A_22 = tpu.memref_slice %arg17[%dma_start3A_20, %dma_start3A_21] : memref<10240x16xf32, #tpu.memory_space<vmem_shared>> -> memref<10240x16xf32, #tpu.memory_space<vmem_shared>>
    tpu.enqueue_indirect_dma source(%dma_start3A_22 : memref<10240x16xf32, #tpu.memory_space<vmem_shared>>) target(%arg10 : memref<128x16xf32, #tpu.memory_space<vmem>>) offsets(%dma_start3A_19 : memref<128xi32, #tpu.memory_space<vmem>>) semaphore(%arg14 : memref<!tpu.dma_semaphore, #tpu.memory_space<semaphore_mem>>)
    %dma_start3A_23 = arith.constant 256 : i32
    %dma_start3A_24 = tpu.memref_slice %arg6[%dma_start3A_23] : memref<10240xi32, #tpu.memory_space<vmem>> -> memref<128xi32, #tpu.memory_space<vmem>>
    %dma_start3A_25 = arith.constant 0 : i32
    %dma_start3A_26 = arith.constant 0 : i32
    %dma_start3A_27 = tpu.memref_slice %arg17[%dma_start3A_25, %dma_start3A_26] : memref<10240x16xf32, #tpu.memory_space<vmem_shared>> -> memref<10240x16xf32, #tpu.memory_space<vmem_shared>>
    tpu.enqueue_indirect_dma source(%dma_start3A_27 : memref<10240x16xf32, #tpu.memory_space<vmem_shared>>) target(%arg11 : memref<128x16xf32, #tpu.memory_space<vmem>>) offsets(%dma_start3A_24 : memref<128xi32, #tpu.memory_space<vmem>>) semaphore(%arg15 : memref<!tpu.dma_semaphore, #tpu.memory_space<semaphore_mem>>)
    %dma_start3A_28 = arith.constant 384 : i32
    %dma_start3A_29 = tpu.memref_slice %arg6[%dma_start3A_28] : memref<10240xi32, #tpu.memory_space<vmem>> -> memref<128xi32, #tpu.memory_space<vmem>>
    %dma_start3A_30 = arith.constant 0 : i32
    %dma_start3A_31 = arith.constant 0 : i32
    %dma_start3A_32 = tpu.memref_slice %arg17[%dma_start3A_30, %dma_start3A_31] : memref<10240x16xf32, #tpu.memory_space<vmem_shared>> -> memref<10240x16xf32, #tpu.memory_space<vmem_shared>>
    tpu.enqueue_indirect_dma source(%dma_start3A_32 : memref<10240x16xf32, #tpu.memory_space<vmem_shared>>) target(%arg12 : memref<128x16xf32, #tpu.memory_space<vmem>>) offsets(%dma_start3A_29 : memref<128xi32, #tpu.memory_space<vmem>>) semaphore(%arg16 : memref<!tpu.dma_semaphore, #tpu.memory_space<semaphore_mem>>)
    %scan3A_33 = arith.constant 0 : i32
    %scan3A_34 = arith.constant 0 : i32
    %scan3A_35 = arith.constant 20 : i32
    %scan3A_36 = arith.addi %scan3A_34, %scan3A_35 : i32
    %scan3A_37 = arith.constant 1 : i32
    scf.for %scan3A_40 = %scan3A_34 to %scan3A_36 step %scan3A_37  : i32 {
      %mul3A_41 = arith.constant 4 : i32
      %mul3A_42 = arith.muli %scan3A_40, %mul3A_41 : i32
      %add3A_43 = arith.constant 0 : i32
      %add3A_44 = arith.addi %mul3A_42, %add3A_43 : i32
      %dma_wait3A = arith.constant 0 : i32
      %dma_wait3A_45 = arith.constant 0 : i32
      %dma_wait3A_46 = tpu.memref_slice %arg2[%dma_wait3A, %dma_wait3A_45] : memref<10240x16xf32, #tpu.memory_space<hbm>> -> memref<128x16xf32, #tpu.memory_space<hbm>>
      %dma_wait3A_47 = arith.constant 0 : i32
      %dma_wait3A_48 = arith.constant 0 : i32
      %dma_wait3A_49 = tpu.memref_slice %arg2[%dma_wait3A_47, %dma_wait3A_48] : memref<10240x16xf32, #tpu.memory_space<hbm>> -> memref<128x16xf32, #tpu.memory_space<hbm>>
      tpu.wait_dma2 semaphore(%arg13 : memref<!tpu.dma_semaphore, #tpu.memory_space<semaphore_mem>>) src(%dma_wait3A_49 : memref<128x16xf32, #tpu.memory_space<hbm>>) dst(%arg9 : memref<128x16xf32, #tpu.memory_space<vmem>>)
      "tpu.region"() ({
        %run_scoped3A = tpu.sem_alloc : memref<!tpu.dma_semaphore, #tpu.memory_space<semaphore_mem>>
        %dma_start3A_105 = arith.constant 0 : i32
        %dma_start3A_106 = tpu.memref_slice %arg7[%add3A_44, %dma_start3A_105] : memref<80x128xi32, #tpu.memory_space<vmem>> -> memref<1x128xi32, #tpu.memory_space<vmem>>
        %dma_start3A_107 = tpu.memref_squeeze %dma_start3A_106 : memref<1x128xi32, #tpu.memory_space<vmem>> -> memref<128xi32, #tpu.memory_space<vmem>>
        %dma_start3A_108 = arith.constant 0 : i32
        %dma_start3A_109 = arith.constant 0 : i32
        %dma_start3A_110 = tpu.memref_slice %arg8[%dma_start3A_108, %dma_start3A_109] : memref<10240x16xf32, #tpu.memory_space<vmem_shared>> -> memref<10240x16xf32, #tpu.memory_space<vmem_shared>>
        tpu.enqueue_indirect_dma source(%arg9 : memref<128x16xf32, #tpu.memory_space<vmem>>) target(%dma_start3A_110 : memref<10240x16xf32, #tpu.memory_space<vmem_shared>>) offsets(%dma_start3A_107 : memref<128xi32, #tpu.memory_space<vmem>>) semaphore(%run_scoped3A : memref<!tpu.dma_semaphore, #tpu.memory_space<semaphore_mem>>) {add = true}
        %dma_wait3A_111 = arith.constant 0 : i32
        %dma_wait3A_112 = tpu.memref_slice %arg7[%add3A_44, %dma_wait3A_111] : memref<80x128xi32, #tpu.memory_space<vmem>> -> memref<1x128xi32, #tpu.memory_space<vmem>>
        %dma_wait3A_113 = tpu.memref_squeeze %dma_wait3A_112 : memref<1x128xi32, #tpu.memory_space<vmem>> -> memref<128xi32, #tpu.memory_space<vmem>>
        %dma_wait3A_114 = arith.constant 0 : i32
        %dma_wait3A_115 = arith.constant 0 : i32
        %dma_wait3A_116 = tpu.memref_slice %arg8[%dma_wait3A_114, %dma_wait3A_115] : memref<10240x16xf32, #tpu.memory_space<vmem_shared>> -> memref<10240x16xf32, #tpu.memory_space<vmem_shared>>
        tpu.wait_indirect_dma semaphore(%run_scoped3A : memref<!tpu.dma_semaphore, #tpu.memory_space<semaphore_mem>>) src(%arg9 : memref<128x16xf32, #tpu.memory_space<vmem>>) dst(%dma_wait3A_116 : memref<10240x16xf32, #tpu.memory_space<vmem_shared>>)
        tpu.yield
      }) : () -> ()
      %add3A_50 = arith.constant 4 : i32
      %add3A_51 = arith.addi %add3A_44, %add3A_50 : i32
      %lt3A = arith.constant 80 : i32
      %lt3A_52 = arith.cmpi slt, %add3A_51, %lt3A : i32
      %convert_element_type3A = arith.extui %lt3A_52 : i1 to i32
      %cond3A = arith.constant 0 : i32
      %cond3A_53 = arith.cmpi ne, %convert_element_type3A, %cond3A : i32
      scf.if %cond3A_53 {
        %add3A_105 = arith.constant 4 : i32
        %add3A_106 = arith.addi %add3A_44, %add3A_105 : i32
        %mul3A_107 = arith.constant 128 : i32
        %mul3A_108 = arith.muli %add3A_106, %mul3A_107 : i32
        %dma_start3A_109 = tpu.memref_slice %arg6[%mul3A_108] : memref<10240xi32, #tpu.memory_space<vmem>> -> memref<128xi32, #tpu.memory_space<vmem>>
        %dma_start3A_110 = arith.constant 0 : i32
        %dma_start3A_111 = arith.constant 0 : i32
        %dma_start3A_112 = tpu.memref_slice %arg17[%dma_start3A_110, %dma_start3A_111] : memref<10240x16xf32, #tpu.memory_space<vmem_shared>> -> memref<10240x16xf32, #tpu.memory_space<vmem_shared>>
        tpu.enqueue_indirect_dma source(%dma_start3A_112 : memref<10240x16xf32, #tpu.memory_space<vmem_shared>>) target(%arg9 : memref<128x16xf32, #tpu.memory_space<vmem>>) offsets(%dma_start3A_109 : memref<128xi32, #tpu.memory_space<vmem>>) semaphore(%arg13 : memref<!tpu.dma_semaphore, #tpu.memory_space<semaphore_mem>>)
      } else {
      }
      %mul3A_54 = arith.constant 4 : i32
      %mul3A_55 = arith.muli %scan3A_40, %mul3A_54 : i32
      %add3A_56 = arith.constant 1 : i32
      %add3A_57 = arith.addi %mul3A_55, %add3A_56 : i32
      %dma_wait3A_58 = arith.constant 0 : i32
      %dma_wait3A_59 = arith.constant 0 : i32
      %dma_wait3A_60 = tpu.memref_slice %arg2[%dma_wait3A_58, %dma_wait3A_59] : memref<10240x16xf32, #tpu.memory_space<hbm>> -> memref<128x16xf32, #tpu.memory_space<hbm>>
      %dma_wait3A_61 = arith.constant 0 : i32
      %dma_wait3A_62 = arith.constant 0 : i32
      %dma_wait3A_63 = tpu.memref_slice %arg2[%dma_wait3A_61, %dma_wait3A_62] : memref<10240x16xf32, #tpu.memory_space<hbm>> -> memref<128x16xf32, #tpu.memory_space<hbm>>
      tpu.wait_dma2 semaphore(%arg14 : memref<!tpu.dma_semaphore, #tpu.memory_space<semaphore_mem>>) src(%dma_wait3A_63 : memref<128x16xf32, #tpu.memory_space<hbm>>) dst(%arg10 : memref<128x16xf32, #tpu.memory_space<vmem>>)
      "tpu.region"() ({
        %run_scoped3A = tpu.sem_alloc : memref<!tpu.dma_semaphore, #tpu.memory_space<semaphore_mem>>
        %dma_start3A_105 = arith.constant 0 : i32
        %dma_start3A_106 = tpu.memref_slice %arg7[%add3A_57, %dma_start3A_105] : memref<80x128xi32, #tpu.memory_space<vmem>> -> memref<1x128xi32, #tpu.memory_space<vmem>>
        %dma_start3A_107 = tpu.memref_squeeze %dma_start3A_106 : memref<1x128xi32, #tpu.memory_space<vmem>> -> memref<128xi32, #tpu.memory_space<vmem>>
        %dma_start3A_108 = arith.constant 0 : i32
        %dma_start3A_109 = arith.constant 0 : i32
        %dma_start3A_110 = tpu.memref_slice %arg8[%dma_start3A_108, %dma_start3A_109] : memref<10240x16xf32, #tpu.memory_space<vmem_shared>> -> memref<10240x16xf32, #tpu.memory_space<vmem_shared>>
        tpu.enqueue_indirect_dma source(%arg10 : memref<128x16xf32, #tpu.memory_space<vmem>>) target(%dma_start3A_110 : memref<10240x16xf32, #tpu.memory_space<vmem_shared>>) offsets(%dma_start3A_107 : memref<128xi32, #tpu.memory_space<vmem>>) semaphore(%run_scoped3A : memref<!tpu.dma_semaphore, #tpu.memory_space<semaphore_mem>>) {add = true}
        %dma_wait3A_111 = arith.constant 0 : i32
        %dma_wait3A_112 = tpu.memref_slice %arg7[%add3A_57, %dma_wait3A_111] : memref<80x128xi32, #tpu.memory_space<vmem>> -> memref<1x128xi32, #tpu.memory_space<vmem>>
        %dma_wait3A_113 = tpu.memref_squeeze %dma_wait3A_112 : memref<1x128xi32, #tpu.memory_space<vmem>> -> memref<128xi32, #tpu.memory_space<vmem>>
        %dma_wait3A_114 = arith.constant 0 : i32
        %dma_wait3A_115 = arith.constant 0 : i32
        %dma_wait3A_116 = tpu.memref_slice %arg8[%dma_wait3A_114, %dma_wait3A_115] : memref<10240x16xf32, #tpu.memory_space<vmem_shared>> -> memref<10240x16xf32, #tpu.memory_space<vmem_shared>>
        tpu.wait_indirect_dma semaphore(%run_scoped3A : memref<!tpu.dma_semaphore, #tpu.memory_space<semaphore_mem>>) src(%arg10 : memref<128x16xf32, #tpu.memory_space<vmem>>) dst(%dma_wait3A_116 : memref<10240x16xf32, #tpu.memory_space<vmem_shared>>)
        tpu.yield
      }) : () -> ()
      %add3A_64 = arith.constant 4 : i32
      %add3A_65 = arith.addi %add3A_57, %add3A_64 : i32
      %lt3A_66 = arith.constant 80 : i32
      %lt3A_67 = arith.cmpi slt, %add3A_65, %lt3A_66 : i32
      %convert_element_type3A_68 = arith.extui %lt3A_67 : i1 to i32
      %cond3A_69 = arith.constant 0 : i32
      %cond3A_70 = arith.cmpi ne, %convert_element_type3A_68, %cond3A_69 : i32
      scf.if %cond3A_70 {
        %add3A_105 = arith.constant 4 : i32
        %add3A_106 = arith.addi %add3A_57, %add3A_105 : i32
        %mul3A_107 = arith.constant 128 : i32
        %mul3A_108 = arith.muli %add3A_106, %mul3A_107 : i32
        %dma_start3A_109 = tpu.memref_slice %arg6[%mul3A_108] : memref<10240xi32, #tpu.memory_space<vmem>> -> memref<128xi32, #tpu.memory_space<vmem>>
        %dma_start3A_110 = arith.constant 0 : i32
        %dma_start3A_111 = arith.constant 0 : i32
        %dma_start3A_112 = tpu.memref_slice %arg17[%dma_start3A_110, %dma_start3A_111] : memref<10240x16xf32, #tpu.memory_space<vmem_shared>> -> memref<10240x16xf32, #tpu.memory_space<vmem_shared>>
        tpu.enqueue_indirect_dma source(%dma_start3A_112 : memref<10240x16xf32, #tpu.memory_space<vmem_shared>>) target(%arg10 : memref<128x16xf32, #tpu.memory_space<vmem>>) offsets(%dma_start3A_109 : memref<128xi32, #tpu.memory_space<vmem>>) semaphore(%arg14 : memref<!tpu.dma_semaphore, #tpu.memory_space<semaphore_mem>>)
      } else {
      }
      %mul3A_71 = arith.constant 4 : i32
      %mul3A_72 = arith.muli %scan3A_40, %mul3A_71 : i32
      %add3A_73 = arith.constant 2 : i32
      %add3A_74 = arith.addi %mul3A_72, %add3A_73 : i32
      %dma_wait3A_75 = arith.constant 0 : i32
      %dma_wait3A_76 = arith.constant 0 : i32
      %dma_wait3A_77 = tpu.memref_slice %arg2[%dma_wait3A_75, %dma_wait3A_76] : memref<10240x16xf32, #tpu.memory_space<hbm>> -> memref<128x16xf32, #tpu.memory_space<hbm>>
      %dma_wait3A_78 = arith.constant 0 : i32
      %dma_wait3A_79 = arith.constant 0 : i32
      %dma_wait3A_80 = tpu.memref_slice %arg2[%dma_wait3A_78, %dma_wait3A_79] : memref<10240x16xf32, #tpu.memory_space<hbm>> -> memref<128x16xf32, #tpu.memory_space<hbm>>
      tpu.wait_dma2 semaphore(%arg15 : memref<!tpu.dma_semaphore, #tpu.memory_space<semaphore_mem>>) src(%dma_wait3A_80 : memref<128x16xf32, #tpu.memory_space<hbm>>) dst(%arg11 : memref<128x16xf32, #tpu.memory_space<vmem>>)
      "tpu.region"() ({
        %run_scoped3A = tpu.sem_alloc : memref<!tpu.dma_semaphore, #tpu.memory_space<semaphore_mem>>
        %dma_start3A_105 = arith.constant 0 : i32
        %dma_start3A_106 = tpu.memref_slice %arg7[%add3A_74, %dma_start3A_105] : memref<80x128xi32, #tpu.memory_space<vmem>> -> memref<1x128xi32, #tpu.memory_space<vmem>>
        %dma_start3A_107 = tpu.memref_squeeze %dma_start3A_106 : memref<1x128xi32, #tpu.memory_space<vmem>> -> memref<128xi32, #tpu.memory_space<vmem>>
        %dma_start3A_108 = arith.constant 0 : i32
        %dma_start3A_109 = arith.constant 0 : i32
        %dma_start3A_110 = tpu.memref_slice %arg8[%dma_start3A_108, %dma_start3A_109] : memref<10240x16xf32, #tpu.memory_space<vmem_shared>> -> memref<10240x16xf32, #tpu.memory_space<vmem_shared>>
        tpu.enqueue_indirect_dma source(%arg11 : memref<128x16xf32, #tpu.memory_space<vmem>>) target(%dma_start3A_110 : memref<10240x16xf32, #tpu.memory_space<vmem_shared>>) offsets(%dma_start3A_107 : memref<128xi32, #tpu.memory_space<vmem>>) semaphore(%run_scoped3A : memref<!tpu.dma_semaphore, #tpu.memory_space<semaphore_mem>>) {add = true}
        %dma_wait3A_111 = arith.constant 0 : i32
        %dma_wait3A_112 = tpu.memref_slice %arg7[%add3A_74, %dma_wait3A_111] : memref<80x128xi32, #tpu.memory_space<vmem>> -> memref<1x128xi32, #tpu.memory_space<vmem>>
        %dma_wait3A_113 = tpu.memref_squeeze %dma_wait3A_112 : memref<1x128xi32, #tpu.memory_space<vmem>> -> memref<128xi32, #tpu.memory_space<vmem>>
        %dma_wait3A_114 = arith.constant 0 : i32
        %dma_wait3A_115 = arith.constant 0 : i32
        %dma_wait3A_116 = tpu.memref_slice %arg8[%dma_wait3A_114, %dma_wait3A_115] : memref<10240x16xf32, #tpu.memory_space<vmem_shared>> -> memref<10240x16xf32, #tpu.memory_space<vmem_shared>>
        tpu.wait_indirect_dma semaphore(%run_scoped3A : memref<!tpu.dma_semaphore, #tpu.memory_space<semaphore_mem>>) src(%arg11 : memref<128x16xf32, #tpu.memory_space<vmem>>) dst(%dma_wait3A_116 : memref<10240x16xf32, #tpu.memory_space<vmem_shared>>)
        tpu.yield
      }) : () -> ()
      %add3A_81 = arith.constant 4 : i32
      %add3A_82 = arith.addi %add3A_74, %add3A_81 : i32
      %lt3A_83 = arith.constant 80 : i32
      %lt3A_84 = arith.cmpi slt, %add3A_82, %lt3A_83 : i32
      %convert_element_type3A_85 = arith.extui %lt3A_84 : i1 to i32
      %cond3A_86 = arith.constant 0 : i32
      %cond3A_87 = arith.cmpi ne, %convert_element_type3A_85, %cond3A_86 : i32
      scf.if %cond3A_87 {
        %add3A_105 = arith.constant 4 : i32
        %add3A_106 = arith.addi %add3A_74, %add3A_105 : i32
        %mul3A_107 = arith.constant 128 : i32
        %mul3A_108 = arith.muli %add3A_106, %mul3A_107 : i32
        %dma_start3A_109 = tpu.memref_slice %arg6[%mul3A_108] : memref<10240xi32, #tpu.memory_space<vmem>> -> memref<128xi32, #tpu.memory_space<vmem>>
        %dma_start3A_110 = arith.constant 0 : i32
        %dma_start3A_111 = arith.constant 0 : i32
        %dma_start3A_112 = tpu.memref_slice %arg17[%dma_start3A_110, %dma_start3A_111] : memref<10240x16xf32, #tpu.memory_space<vmem_shared>> -> memref<10240x16xf32, #tpu.memory_space<vmem_shared>>
        tpu.enqueue_indirect_dma source(%dma_start3A_112 : memref<10240x16xf32, #tpu.memory_space<vmem_shared>>) target(%arg11 : memref<128x16xf32, #tpu.memory_space<vmem>>) offsets(%dma_start3A_109 : memref<128xi32, #tpu.memory_space<vmem>>) semaphore(%arg15 : memref<!tpu.dma_semaphore, #tpu.memory_space<semaphore_mem>>)
      } else {
      }
      %mul3A_88 = arith.constant 4 : i32
      %mul3A_89 = arith.muli %scan3A_40, %mul3A_88 : i32
      %add3A_90 = arith.constant 3 : i32
      %add3A_91 = arith.addi %mul3A_89, %add3A_90 : i32
      %dma_wait3A_92 = arith.constant 0 : i32
      %dma_wait3A_93 = arith.constant 0 : i32
      %dma_wait3A_94 = tpu.memref_slice %arg2[%dma_wait3A_92, %dma_wait3A_93] : memref<10240x16xf32, #tpu.memory_space<hbm>> -> memref<128x16xf32, #tpu.memory_space<hbm>>
      %dma_wait3A_95 = arith.constant 0 : i32
      %dma_wait3A_96 = arith.constant 0 : i32
      %dma_wait3A_97 = tpu.memref_slice %arg2[%dma_wait3A_95, %dma_wait3A_96] : memref<10240x16xf32, #tpu.memory_space<hbm>> -> memref<128x16xf32, #tpu.memory_space<hbm>>
      tpu.wait_dma2 semaphore(%arg16 : memref<!tpu.dma_semaphore, #tpu.memory_space<semaphore_mem>>) src(%dma_wait3A_97 : memref<128x16xf32, #tpu.memory_space<hbm>>) dst(%arg12 : memref<128x16xf32, #tpu.memory_space<vmem>>)
      "tpu.region"() ({
        %run_scoped3A = tpu.sem_alloc : memref<!tpu.dma_semaphore, #tpu.memory_space<semaphore_mem>>
        %dma_start3A_105 = arith.constant 0 : i32
        %dma_start3A_106 = tpu.memref_slice %arg7[%add3A_91, %dma_start3A_105] : memref<80x128xi32, #tpu.memory_space<vmem>> -> memref<1x128xi32, #tpu.memory_space<vmem>>
        %dma_start3A_107 = tpu.memref_squeeze %dma_start3A_106 : memref<1x128xi32, #tpu.memory_space<vmem>> -> memref<128xi32, #tpu.memory_space<vmem>>
        %dma_start3A_108 = arith.constant 0 : i32
        %dma_start3A_109 = arith.constant 0 : i32
        %dma_start3A_110 = tpu.memref_slice %arg8[%dma_start3A_108, %dma_start3A_109] : memref<10240x16xf32, #tpu.memory_space<vmem_shared>> -> memref<10240x16xf32, #tpu.memory_space<vmem_shared>>
        tpu.enqueue_indirect_dma source(%arg12 : memref<128x16xf32, #tpu.memory_space<vmem>>) target(%dma_start3A_110 : memref<10240x16xf32, #tpu.memory_space<vmem_shared>>) offsets(%dma_start3A_107 : memref<128xi32, #tpu.memory_space<vmem>>) semaphore(%run_scoped3A : memref<!tpu.dma_semaphore, #tpu.memory_space<semaphore_mem>>) {add = true}
        %dma_wait3A_111 = arith.constant 0 : i32
        %dma_wait3A_112 = tpu.memref_slice %arg7[%add3A_91, %dma_wait3A_111] : memref<80x128xi32, #tpu.memory_space<vmem>> -> memref<1x128xi32, #tpu.memory_space<vmem>>
        %dma_wait3A_113 = tpu.memref_squeeze %dma_wait3A_112 : memref<1x128xi32, #tpu.memory_space<vmem>> -> memref<128xi32, #tpu.memory_space<vmem>>
        %dma_wait3A_114 = arith.constant 0 : i32
        %dma_wait3A_115 = arith.constant 0 : i32
        %dma_wait3A_116 = tpu.memref_slice %arg8[%dma_wait3A_114, %dma_wait3A_115] : memref<10240x16xf32, #tpu.memory_space<vmem_shared>> -> memref<10240x16xf32, #tpu.memory_space<vmem_shared>>
        tpu.wait_indirect_dma semaphore(%run_scoped3A : memref<!tpu.dma_semaphore, #tpu.memory_space<semaphore_mem>>) src(%arg12 : memref<128x16xf32, #tpu.memory_space<vmem>>) dst(%dma_wait3A_116 : memref<10240x16xf32, #tpu.memory_space<vmem_shared>>)
        tpu.yield
      }) : () -> ()
      %add3A_98 = arith.constant 4 : i32
      %add3A_99 = arith.addi %add3A_91, %add3A_98 : i32
      %lt3A_100 = arith.constant 80 : i32
      %lt3A_101 = arith.cmpi slt, %add3A_99, %lt3A_100 : i32
      %convert_element_type3A_102 = arith.extui %lt3A_101 : i1 to i32
      %cond3A_103 = arith.constant 0 : i32
      %cond3A_104 = arith.cmpi ne, %convert_element_type3A_102, %cond3A_103 : i32
      scf.if %cond3A_104 {
        %add3A_105 = arith.constant 4 : i32
        %add3A_106 = arith.addi %add3A_91, %add3A_105 : i32
        %mul3A_107 = arith.constant 128 : i32
        %mul3A_108 = arith.muli %add3A_106, %mul3A_107 : i32
        %dma_start3A_109 = tpu.memref_slice %arg6[%mul3A_108] : memref<10240xi32, #tpu.memory_space<vmem>> -> memref<128xi32, #tpu.memory_space<vmem>>
        %dma_start3A_110 = arith.constant 0 : i32
        %dma_start3A_111 = arith.constant 0 : i32
        %dma_start3A_112 = tpu.memref_slice %arg17[%dma_start3A_110, %dma_start3A_111] : memref<10240x16xf32, #tpu.memory_space<vmem_shared>> -> memref<10240x16xf32, #tpu.memory_space<vmem_shared>>
        tpu.enqueue_indirect_dma source(%dma_start3A_112 : memref<10240x16xf32, #tpu.memory_space<vmem_shared>>) target(%arg12 : memref<128x16xf32, #tpu.memory_space<vmem>>) offsets(%dma_start3A_109 : memref<128xi32, #tpu.memory_space<vmem>>) semaphore(%arg16 : memref<!tpu.dma_semaphore, #tpu.memory_space<semaphore_mem>>)
      } else {
      }
    }
    %scan3A_38 = arith.constant 20 : i32
    %barrier3A_39 = arith.constant 0 : index
    tpu.barrier barrier_id(%barrier3A_39)
    "tpu.region"() ({
      %run_scoped3A = tpu.sem_alloc : memref<!tpu.dma_semaphore, #tpu.memory_space<semaphore_mem>>
      %dma_start3A_40 = arith.constant 0 : i32
      %dma_start3A_41 = tpu.memref_slice %arg5[%arg0, %mul3A_7, %dma_start3A_40] : memref<2x10240x16xf32, #tpu.memory_space<hbm>> -> memref<1x640x16xf32, #tpu.memory_space<hbm>>
      %dma_start3A_42 = tpu.memref_squeeze %dma_start3A_41 : memref<1x640x16xf32, #tpu.memory_space<hbm>> -> memref<640x16xf32, #tpu.memory_space<hbm>>
      %dma_start3A_43 = arith.constant 0 : i32
      %dma_start3A_44 = tpu.memref_slice %arg8[%mul3A_7, %dma_start3A_43] : memref<10240x16xf32, #tpu.memory_space<vmem_shared>> -> memref<640x16xf32, #tpu.memory_space<vmem_shared>>
      tpu.enqueue_dma source(%dma_start3A_44 : memref<640x16xf32, #tpu.memory_space<vmem_shared>>) target(%dma_start3A_42 : memref<640x16xf32, #tpu.memory_space<hbm>>) target_semaphore(%run_scoped3A : memref<!tpu.dma_semaphore, #tpu.memory_space<semaphore_mem>>)
      %dma_wait3A = arith.constant 0 : i32
      %dma_wait3A_45 = tpu.memref_slice %arg5[%arg0, %mul3A_7, %dma_wait3A] : memref<2x10240x16xf32, #tpu.memory_space<hbm>> -> memref<1x640x16xf32, #tpu.memory_space<hbm>>
      %dma_wait3A_46 = tpu.memref_squeeze %dma_wait3A_45 : memref<1x640x16xf32, #tpu.memory_space<hbm>> -> memref<640x16xf32, #tpu.memory_space<hbm>>
      %dma_wait3A_47 = arith.constant 0 : i32
      %dma_wait3A_48 = tpu.memref_slice %arg8[%mul3A_7, %dma_wait3A_47] : memref<10240x16xf32, #tpu.memory_space<vmem_shared>> -> memref<640x16xf32, #tpu.memory_space<vmem_shared>>
      tpu.wait_dma2 semaphore(%run_scoped3A : memref<!tpu.dma_semaphore, #tpu.memory_space<semaphore_mem>>) src(%dma_wait3A_48 : memref<640x16xf32, #tpu.memory_space<vmem_shared>>) dst(%dma_wait3A_46 : memref<640x16xf32, #tpu.memory_space<hbm>>)
      tpu.yield
    }) : () -> ()
    return
  }
}

module attributes {stable_mosaic.version = 14 : i64} {
  func.func @_tc1_body(%arg0: i32, %arg1: memref<1024x128xf32, #tpu.memory_space<vmem>>, %arg2: memref<128x128xf32, #tpu.memory_space<vmem>>, %arg3: memref<2x1024x16xf32, #tpu.memory_space<vmem>>, %arg4: memref<1024x128xf32, #tpu.memory_space<vmem>>) attributes {dimension_semantics = [#tpu.dimension_semantics<arbitrary>], iteration_bounds = array<i64: 10>, scalar_prefetch = 0 : i64, scratch_operands = 0 : i64, tpu.core_type = #tpu.core_type<tc>, window_params = [{transform_indices = @transform_0, window_bounds = array<i64: 1024, 128>}, {pipeline_mode = #tpu.pipeline_mode<synchronous>, transform_indices = @transform_1, window_bounds = array<i64: 128, 128>}, {transform_indices = @transform_2, window_bounds = array<i64: 2, 1024, 16>}, {transform_indices = @transform_3, window_bounds = array<i64: 1024, 128>}]} {
    %get3A = arith.constant 0 : index
    %get3A_0 = arith.constant 0 : index
    %get3A_1 = arith.constant 0 : index
    %get3A_2 = vector.load %arg3[%get3A, %get3A_0, %get3A_1] : memref<2x1024x16xf32, #tpu.memory_space<vmem>>, vector<2x1024x16xf32>
    %slice3A = vector.extract_strided_slice %get3A_2 {offsets = [0, 0, 0], sizes = [1, 1024, 1], strides = [1, 1, 1]} : vector<2x1024x16xf32> to vector<1x1024x1xf32>
    %squeeze3A = vector.shape_cast %slice3A : vector<1x1024x1xf32> to vector<1024xf32>
    %slice3A_3 = vector.extract_strided_slice %get3A_2 {offsets = [1, 0, 0], sizes = [1, 1024, 1], strides = [1, 1, 1]} : vector<2x1024x16xf32> to vector<1x1024x1xf32>
    %squeeze3A_4 = vector.shape_cast %slice3A_3 : vector<1x1024x1xf32> to vector<1024xf32>
    %add3A = arith.addf %squeeze3A, %squeeze3A_4 : vector<1024xf32>
    %add3A_5 = arith.constant 1.000000e+00 : f32
    %add3A_6 = vector.broadcast %add3A_5 : f32 to vector<1024xf32>
    %add3A_7 = arith.addf %add3A, %add3A_6 : vector<1024xf32>
    %rsqrt3A = math.rsqrt %add3A_7 : vector<1024xf32>
    %broadcast_in_dim3A = vector.shape_cast %rsqrt3A : vector<1024xf32> to vector<1024x1xf32>
    %get3A_8 = arith.constant 0 : index
    %get3A_9 = arith.constant 0 : index
    %get3A_10 = vector.load %arg1[%get3A_8, %get3A_9] : memref<1024x128xf32, #tpu.memory_space<vmem>>, vector<1024x128xf32>
    %get3A_11 = arith.constant 0 : index
    %get3A_12 = arith.constant 0 : index
    %get3A_13 = vector.load %arg2[%get3A_11, %get3A_12] : memref<128x128xf32, #tpu.memory_space<vmem>>, vector<128x128xf32>
    %dot_general3A = arith.constant dense<0.000000e+00> : vector<1024x128xf32>
    %dot_general3A_14 = tpu.matmul %get3A_10, %get3A_13, %dot_general3A {dimension_numbers = #tpu.dot_dimension_numbers<[1], [0], [0], [1], [0, 0, 1, 1], [], []>, transpose_lhs_hint = false} : vector<1024x128xf32>, vector<128x128xf32>, vector<1024x128xf32> -> vector<1024x128xf32>
    %mul3A = arith.constant 1024 : i32
    %mul3A_15 = arith.muli %arg0, %mul3A : i32
    %iota3A = tpu.iota {dimensions = array<i32: 0>} : vector<1024x1xi32>
    %add3A_16 = vector.broadcast %mul3A_15 : i32 to vector<1024x1xi32>
    %add3A_17 = arith.addi %add3A_16, %iota3A : vector<1024x1xi32>
    %lt3A = arith.constant 10000 : i32
    %lt3A_18 = vector.broadcast %lt3A : i32 to vector<1024x1xi32>
    %lt3A_19 = arith.cmpi slt, %add3A_17, %lt3A_18 : vector<1024x1xi32>
    %mul3A_20 = vector.broadcast %broadcast_in_dim3A : vector<1024x1xf32> to vector<1024x128xf32>
    %mul3A_21 = arith.mulf %mul3A_20, %dot_general3A_14 : vector<1024x128xf32>
    %jit3A = arith.constant 0.000000e+00 : f32
    %broadcast_in_dim3A_22 = vector.shape_cast %lt3A_19 : vector<1024x1xi1> to vector<1024x1xi1>
    %broadcast_in_dim3A_23 = vector.broadcast %broadcast_in_dim3A_22 : vector<1024x1xi1> to vector<1024x128xi1>
    %broadcast_in_dim3A_24 = vector.broadcast %jit3A : f32 to vector<1024x128xf32>
    %select_n3A = arith.select %broadcast_in_dim3A_23, %mul3A_21, %broadcast_in_dim3A_24 : vector<1024x128xi1>, vector<1024x128xf32>
    %swap3A = arith.constant 0 : index
    %swap3A_25 = arith.constant 0 : index
    %swap3A_26 = vector.load %arg4[%swap3A, %swap3A_25] : memref<1024x128xf32, #tpu.memory_space<vmem>>, vector<1024x128xf32>
    tpu.vector_store %arg4[%swap3A, %swap3A_25], %select_n3A {strides = array<i32>} : memref<1024x128xf32, #tpu.memory_space<vmem>>, vector<1024x128xf32>,
    return
  }
  func.func @transform_0(%arg0: i32) -> (i32, i32) {
    %c0_i32 = arith.constant 0 : i32
    %c0_i32_0 = arith.constant 0 : i32
    return %arg0, %c0_i32 : i32, i32
  }
  func.func @transform_1(%arg0: i32) -> (i32, i32) {
    %c0_i32 = arith.constant 0 : i32
    %c0_i32_0 = arith.constant 0 : i32
    %c0_i32_1 = arith.constant 0 : i32
    return %c0_i32, %c0_i32_0 : i32, i32
  }
  func.func @transform_2(%arg0: i32) -> (i32, i32, i32) {
    %c0_i32 = arith.constant 0 : i32
    %c0_i32_0 = arith.constant 0 : i32
    %c0_i32_1 = arith.constant 0 : i32
    return %c0_i32, %arg0, %c0_i32_0 : i32, i32, i32
  }
  func.func @transform_3(%arg0: i32) -> (i32, i32) {
    %c0_i32 = arith.constant 0 : i32
    %c0_i32_0 = arith.constant 0 : i32
    return %arg0, %c0_i32 : i32, i32
  }
}

module attributes {stable_mosaic.version = 14 : i64} {
  func.func @_tc2_body(%arg0: i32, %arg1: memref<2x1024x128xf32, #tpu.memory_space<vmem>>, %arg2: memref<1024x128xf32, #tpu.memory_space<vmem>>, %arg3: memref<2x1024x16xf32, #tpu.memory_space<vmem>>, %arg4: memref<1x128xf32, #tpu.memory_space<vmem>>, %arg5: memref<128x16xf32, #tpu.memory_space<vmem>>, %arg6: memref<1024x16xf32, #tpu.memory_space<vmem>>) attributes {dimension_semantics = [#tpu.dimension_semantics<arbitrary>], iteration_bounds = array<i64: 10>, scalar_prefetch = 0 : i64, scratch_operands = 0 : i64, tpu.core_type = #tpu.core_type<tc>, window_params = [{transform_indices = @transform_0, window_bounds = array<i64: 2, 1024, 128>}, {transform_indices = @transform_1, window_bounds = array<i64: 1024, 128>}, {transform_indices = @transform_2, window_bounds = array<i64: 2, 1024, 16>}, {pipeline_mode = #tpu.pipeline_mode<synchronous>, transform_indices = @transform_3, window_bounds = array<i64: 1, 128>}, {pipeline_mode = #tpu.pipeline_mode<synchronous>, transform_indices = @transform_4, window_bounds = array<i64: 128, 16>}, {transform_indices = @transform_5, window_bounds = array<i64: 1024, 16>}]} {
    %get3A = arith.constant 0 : index
    %get3A_0 = arith.constant 0 : index
    %get3A_1 = arith.constant 0 : index
    %get3A_2 = vector.load %arg3[%get3A, %get3A_0, %get3A_1] : memref<2x1024x16xf32, #tpu.memory_space<vmem>>, vector<2x1024x16xf32>
    %slice3A = vector.extract_strided_slice %get3A_2 {offsets = [0, 0, 0], sizes = [1, 1024, 1], strides = [1, 1, 1]} : vector<2x1024x16xf32> to vector<1x1024x1xf32>
    %squeeze3A = vector.shape_cast %slice3A : vector<1x1024x1xf32> to vector<1024xf32>
    %slice3A_3 = vector.extract_strided_slice %get3A_2 {offsets = [1, 0, 0], sizes = [1, 1024, 1], strides = [1, 1, 1]} : vector<2x1024x16xf32> to vector<1x1024x1xf32>
    %squeeze3A_4 = vector.shape_cast %slice3A_3 : vector<1x1024x1xf32> to vector<1024xf32>
    %add3A = arith.addf %squeeze3A, %squeeze3A_4 : vector<1024xf32>
    %add3A_5 = arith.constant 1.000000e+00 : f32
    %add3A_6 = vector.broadcast %add3A_5 : f32 to vector<1024xf32>
    %add3A_7 = arith.addf %add3A, %add3A_6 : vector<1024xf32>
    %rsqrt3A = math.rsqrt %add3A_7 : vector<1024xf32>
    %broadcast_in_dim3A = vector.shape_cast %rsqrt3A : vector<1024xf32> to vector<1024x1xf32>
    %get3A_8 = arith.constant 0 : index
    %get3A_9 = arith.constant 0 : index
    %get3A_10 = arith.constant 0 : index
    %get3A_11 = vector.load %arg1[%get3A_8, %get3A_9, %get3A_10] : memref<2x1024x128xf32, #tpu.memory_space<vmem>>, vector<1x1024x128xf32>
    %get3A_12 = vector.shape_cast %get3A_11 : vector<1x1024x128xf32> to vector<1024x128xf32>
    %get3A_13 = arith.constant 1 : index
    %get3A_14 = arith.constant 0 : index
    %get3A_15 = arith.constant 0 : index
    %get3A_16 = vector.load %arg1[%get3A_13, %get3A_14, %get3A_15] : memref<2x1024x128xf32, #tpu.memory_space<vmem>>, vector<1x1024x128xf32>
    %get3A_17 = vector.shape_cast %get3A_16 : vector<1x1024x128xf32> to vector<1024x128xf32>
    %add3A_18 = arith.addf %get3A_12, %get3A_17 : vector<1024x128xf32>
    %get3A_19 = arith.constant 0 : index
    %get3A_20 = arith.constant 0 : index
    %get3A_21 = vector.load %arg2[%get3A_19, %get3A_20] : memref<1024x128xf32, #tpu.memory_space<vmem>>, vector<1024x128xf32>
    %add3A_22 = arith.addf %add3A_18, %get3A_21 : vector<1024x128xf32>
    %mul3A = vector.broadcast %broadcast_in_dim3A : vector<1024x1xf32> to vector<1024x128xf32>
    %mul3A_23 = arith.mulf %mul3A, %add3A_22 : vector<1024x128xf32>
    %get3A_24 = arith.constant 0 : index
    %get3A_25 = arith.constant 0 : index
    %get3A_26 = vector.load %arg4[%get3A_24, %get3A_25] : memref<1x128xf32, #tpu.memory_space<vmem>>, vector<1x128xf32>
    %add3A_27 = vector.broadcast %get3A_26 : vector<1x128xf32> to vector<1024x128xf32>
    %add3A_28 = arith.addf %mul3A_23, %add3A_27 : vector<1024x128xf32>
    %max3A = arith.constant 0.000000e+00 : f32
    %max3A_29 = vector.broadcast %max3A : f32 to vector<1024x128xf32>
    %max3A_30 = arith.maximumf %add3A_28, %max3A_29 : vector<1024x128xf32>
    %get3A_31 = arith.constant 0 : index
    %get3A_32 = arith.constant 0 : index
    %get3A_33 = vector.load %arg5[%get3A_31, %get3A_32] : memref<128x16xf32, #tpu.memory_space<vmem>>, vector<128x16xf32>
    %dot_general3A = arith.constant dense<0.000000e+00> : vector<1024x16xf32>
    %dot_general3A_34 = tpu.matmul %max3A_30, %get3A_33, %dot_general3A {dimension_numbers = #tpu.dot_dimension_numbers<[1], [0], [0], [1], [0, 0, 1, 1], [], []>, transpose_lhs_hint = false} : vector<1024x128xf32>, vector<128x16xf32>, vector<1024x16xf32> -> vector<1024x16xf32>
    %mul3A_35 = vector.broadcast %broadcast_in_dim3A : vector<1024x1xf32> to vector<1024x16xf32>
    %mul3A_36 = arith.mulf %mul3A_35, %dot_general3A_34 : vector<1024x16xf32>
    %swap3A = arith.constant 0 : index
    %swap3A_37 = arith.constant 0 : index
    %swap3A_38 = vector.load %arg6[%swap3A, %swap3A_37] : memref<1024x16xf32, #tpu.memory_space<vmem>>, vector<1024x16xf32>
    tpu.vector_store %arg6[%swap3A, %swap3A_37], %mul3A_36 {strides = array<i32>} : memref<1024x16xf32, #tpu.memory_space<vmem>>, vector<1024x16xf32>,
    return
  }
  func.func @transform_0(%arg0: i32) -> (i32, i32, i32) {
    %c0_i32 = arith.constant 0 : i32
    %c0_i32_0 = arith.constant 0 : i32
    %c0_i32_1 = arith.constant 0 : i32
    return %c0_i32, %arg0, %c0_i32_0 : i32, i32, i32
  }
  func.func @transform_1(%arg0: i32) -> (i32, i32) {
    %c0_i32 = arith.constant 0 : i32
    %c0_i32_0 = arith.constant 0 : i32
    return %arg0, %c0_i32 : i32, i32
  }
  func.func @transform_2(%arg0: i32) -> (i32, i32, i32) {
    %c0_i32 = arith.constant 0 : i32
    %c0_i32_0 = arith.constant 0 : i32
    %c0_i32_1 = arith.constant 0 : i32
    return %c0_i32, %arg0, %c0_i32_0 : i32, i32, i32
  }
  func.func @transform_3(%arg0: i32) -> (i32, i32) {
    %c0_i32 = arith.constant 0 : i32
    %c0_i32_0 = arith.constant 0 : i32
    %c0_i32_1 = arith.constant 0 : i32
    return %c0_i32, %c0_i32_0 : i32, i32
  }
  func.func @transform_4(%arg0: i32) -> (i32, i32) {
    %c0_i32 = arith.constant 0 : i32
    %c0_i32_0 = arith.constant 0 : i32
    %c0_i32_1 = arith.constant 0 : i32
    return %c0_i32, %c0_i32_0 : i32, i32
  }
  func.func @transform_5(%arg0: i32) -> (i32, i32) {
    %c0_i32 = arith.constant 0 : i32
    %c0_i32_0 = arith.constant 0 : i32
    return %arg0, %c0_i32 : i32, i32
  }
}

module attributes {stable_mosaic.version = 14 : i64} {
  func.func @_tc3_body(%arg0: i32, %arg1: memref<2x2000x16xf32, #tpu.memory_space<vmem>>, %arg2: memref<2000x16xf32, #tpu.memory_space<vmem>>, %arg3: memref<2x2000x16xf32, #tpu.memory_space<vmem>>, %arg4: memref<1x16xf32, #tpu.memory_space<vmem>>, %arg5: memref<2000x16xf32, #tpu.memory_space<vmem>>) attributes {dimension_semantics = [#tpu.dimension_semantics<arbitrary>], iteration_bounds = array<i64: 5>, scalar_prefetch = 0 : i64, scratch_operands = 0 : i64, tpu.core_type = #tpu.core_type<tc>, window_params = [{transform_indices = @transform_0, window_bounds = array<i64: 2, 2000, 16>}, {transform_indices = @transform_1, window_bounds = array<i64: 2000, 16>}, {transform_indices = @transform_2, window_bounds = array<i64: 2, 2000, 16>}, {pipeline_mode = #tpu.pipeline_mode<synchronous>, transform_indices = @transform_3, window_bounds = array<i64: 1, 16>}, {transform_indices = @transform_4, window_bounds = array<i64: 2000, 16>}]} {
    %get3A = arith.constant 0 : index
    %get3A_0 = arith.constant 0 : index
    %get3A_1 = arith.constant 0 : index
    %get3A_2 = vector.load %arg3[%get3A, %get3A_0, %get3A_1] : memref<2x2000x16xf32, #tpu.memory_space<vmem>>, vector<2x2000x16xf32>
    %slice3A = vector.extract_strided_slice %get3A_2 {offsets = [0, 0, 0], sizes = [1, 2000, 1], strides = [1, 1, 1]} : vector<2x2000x16xf32> to vector<1x2000x1xf32>
    %squeeze3A = vector.shape_cast %slice3A : vector<1x2000x1xf32> to vector<2000xf32>
    %slice3A_3 = vector.extract_strided_slice %get3A_2 {offsets = [1, 0, 0], sizes = [1, 2000, 1], strides = [1, 1, 1]} : vector<2x2000x16xf32> to vector<1x2000x1xf32>
    %squeeze3A_4 = vector.shape_cast %slice3A_3 : vector<1x2000x1xf32> to vector<2000xf32>
    %add3A = arith.addf %squeeze3A, %squeeze3A_4 : vector<2000xf32>
    %add3A_5 = arith.constant 1.000000e+00 : f32
    %add3A_6 = vector.broadcast %add3A_5 : f32 to vector<2000xf32>
    %add3A_7 = arith.addf %add3A, %add3A_6 : vector<2000xf32>
    %rsqrt3A = math.rsqrt %add3A_7 : vector<2000xf32>
    %broadcast_in_dim3A = vector.shape_cast %rsqrt3A : vector<2000xf32> to vector<2000x1xf32>
    %get3A_8 = arith.constant 0 : index
    %get3A_9 = arith.constant 0 : index
    %get3A_10 = arith.constant 0 : index
    %get3A_11 = vector.load %arg1[%get3A_8, %get3A_9, %get3A_10] : memref<2x2000x16xf32, #tpu.memory_space<vmem>>, vector<1x2000x16xf32>
    %get3A_12 = vector.shape_cast %get3A_11 : vector<1x2000x16xf32> to vector<2000x16xf32>
    %get3A_13 = arith.constant 1 : index
    %get3A_14 = arith.constant 0 : index
    %get3A_15 = arith.constant 0 : index
    %get3A_16 = vector.load %arg1[%get3A_13, %get3A_14, %get3A_15] : memref<2x2000x16xf32, #tpu.memory_space<vmem>>, vector<1x2000x16xf32>
    %get3A_17 = vector.shape_cast %get3A_16 : vector<1x2000x16xf32> to vector<2000x16xf32>
    %add3A_18 = arith.addf %get3A_12, %get3A_17 : vector<2000x16xf32>
    %get3A_19 = arith.constant 0 : index
    %get3A_20 = arith.constant 0 : index
    %get3A_21 = vector.load %arg2[%get3A_19, %get3A_20] : memref<2000x16xf32, #tpu.memory_space<vmem>>, vector<2000x16xf32>
    %add3A_22 = arith.addf %add3A_18, %get3A_21 : vector<2000x16xf32>
    %mul3A = vector.broadcast %broadcast_in_dim3A : vector<2000x1xf32> to vector<2000x16xf32>
    %mul3A_23 = arith.mulf %mul3A, %add3A_22 : vector<2000x16xf32>
    %get3A_24 = arith.constant 0 : index
    %get3A_25 = arith.constant 0 : index
    %get3A_26 = vector.load %arg4[%get3A_24, %get3A_25] : memref<1x16xf32, #tpu.memory_space<vmem>>, vector<1x16xf32>
    %add3A_27 = vector.broadcast %get3A_26 : vector<1x16xf32> to vector<2000x16xf32>
    %add3A_28 = arith.addf %mul3A_23, %add3A_27 : vector<2000x16xf32>
    %swap3A = arith.constant 0 : index
    %swap3A_29 = arith.constant 0 : index
    %swap3A_30 = vector.load %arg5[%swap3A, %swap3A_29] : memref<2000x16xf32, #tpu.memory_space<vmem>>, vector<2000x16xf32>
    tpu.vector_store %arg5[%swap3A, %swap3A_29], %add3A_28 {strides = array<i32>} : memref<2000x16xf32, #tpu.memory_space<vmem>>, vector<2000x16xf32>,
    return
  }
  func.func @transform_0(%arg0: i32) -> (i32, i32, i32) {
    %c0_i32 = arith.constant 0 : i32
    %c0_i32_0 = arith.constant 0 : i32
    %c0_i32_1 = arith.constant 0 : i32
    return %c0_i32, %arg0, %c0_i32_0 : i32, i32, i32
  }
  func.func @transform_1(%arg0: i32) -> (i32, i32) {
    %c0_i32 = arith.constant 0 : i32
    %c0_i32_0 = arith.constant 0 : i32
    return %arg0, %c0_i32 : i32, i32
  }
  func.func @transform_2(%arg0: i32) -> (i32, i32, i32) {
    %c0_i32 = arith.constant 0 : i32
    %c0_i32_0 = arith.constant 0 : i32
    %c0_i32_1 = arith.constant 0 : i32
    return %c0_i32, %arg0, %c0_i32_0 : i32, i32, i32
  }
  func.func @transform_3(%arg0: i32) -> (i32, i32) {
    %c0_i32 = arith.constant 0 : i32
    %c0_i32_0 = arith.constant 0 : i32
    %c0_i32_1 = arith.constant 0 : i32
    return %c0_i32, %c0_i32_0 : i32, i32
  }
  func.func @transform_4(%arg0: i32) -> (i32, i32) {
    %c0_i32 = arith.constant 0 : i32
    %c0_i32_0 = arith.constant 0 : i32
    return %arg0, %c0_i32 : i32, i32
  }
}

</mosaic_0001>

<sc_bundles>
// kernel: kernel.11.cloned.1.call-start
scs
__scs_entry_jumppad:
0x0: {  	(pc) =	sbr.rel $0x88, $3  }
0x1: {  	(tag) =	ssettag $0x0;
	lr =	simm.s32 $0x1  }
0x2: {  	[smem:$0x3F9B] =	sst lr;
	_ =	strace $0xD0000000  }
0x3: {  	_ = 	snop  }
0x4: {  	_ = 	snop  }
0x5: {  	_ = 	snop  }
0x6: {  	_ = 	snop  }
0x7: {  	_ = 	snop  }
__scs_overlays_trampoline_lowered:
0x8: {  	[smem:$0x3FAA] =	sst s0  }
0x9: {  	[smem:$0x3FAB] =	sst s1  }
0xa: {  	[smem:$0x3FAC] =	sst s2  }
0xb: {  	[smem:$0x3FAD] =	sst s3  }
0xc: {  	[smem:$0x3FAE] =	sst s4  }
0xd: {  	[smem:$0x3FAF] =	sst s5  }
0xe: {  	[smem:$0x3FB0] =	sst s6  }
0xf: {  	[smem:$0x3FB1] =	sst s7  }
0x10: {  	[smem:$0x3FB2] =	sst s8  }
0x11: {  	[smem:$0x3FB3] =	sst s9;
	s0 =	simm.s32 @!p0 $0x0  }
0x12: {  	s1 =	sld [smem:$0x3F99];
	s0 =	simm.s32 @p0 $0x1  }
0x13: {  	[smem:$0x3FB4] =	sst s0;
	s0 =	simm.s32 @!p1 $0x0  }
0x14: {  	s2 =	sld [smem:$0x3F98];
	s0 =	simm.s32 @p1 $0x1  }
0x15: {  	[smem:$0x3FB5] =	sst s0;
	s0 =	simm.s32 @!p2 $0x0  }
0x16: {  	s3 =	sld [smem:$0x3FDB];
	s0 =	simm.s32 @p2 $0x1  }
0x17: {  	s4 =	simm.s32 $0x1BF5;
	[smem:$0x3FB7] =	sst s0  }
0x18: {  	s0 =	sld [smem:$0x3F9A];
	_ =	swait.ge [sflag:s4], $0x0  }
0x19: {  	s7 =	sld [smem:$0x3F9B]  }
0x1a: {  	s8 =	sadd.s32 $0xFFFFE003, lr  }
0x1b: {  	s9 =	sadd.s32 $0xFFFFFEF7, lr;
	s5 =	simm.s32 $0xFFFFFFFF;
	p2 =	slt.u32 s8, $0xFFFFF086  }
0x1c: {  	p1 =	slt.u32 s9, $0xF7A;
	s5 =	simm.s32 @!p2 $0x0  }
0x1d: {  	s5 =	simm.s32 @p1 $0x1;
	p0 =	seq.s32 s7, s2  }
0x1e: {  	s7 =	smul.u32 @!p0 $0xF7A, s2;
	p2 =	seq.s32 @!p0 s5, $0x0  }
0x1f: {  	s9 =	smul.u32 $0xF7A, s1;
	s8 =	simm.s32 @!p0 $0x1BF5;
	p2 =	por !p2, p0  }
0x20: {  	[sflag:s8] =	ssyncset.s32 @!p0 $0xFFFFF086;
	s6 =	sadd.s32 @!p0 s3, s7;
	s7 =	simm.s32 @!p0 $0x108  }
0x21: {  	s3 =	sadd.s32 s3, s9;
	s6 =	sadd.s32 @!p0 $0x88, s6;
	s7 =	simm.s32 @p2 $0x1082  }
0x22: {  	[simem:s7], [sflag:s8] =	dma.local @!p0 [hbm:s6], $0xF7A  }
0x23: {  	s9 =	sor.u32 $0xD0000000, s2;
	s6 =	simm.s32 $0x108;
	_ =	swait.ge @!p0 [sflag:s8], $0x0  }
0x24: {  	s3 =	sadd.s32 $0x88, s3;
	s6 =	simm.s32 @!p1 $0x1082;
	[sflag:s4] =	ssyncset.s32 $0xFFFFF086  }
0x25: {  	[simem:s6], [sflag:s4] =	dma.local [hbm:s3], $0xF7A  }
0x26: {  	[smem:$0x3F9B] =	sst s1;
	(tag) =	ssettag s2;
	_ =	strace s9  }
0x27: {  	s1 =	sld [smem:$0x3FAB]  }
0x28: {  	s2 =	sld [smem:$0x3FAC]  }
0x29: {  	s4 =	sld [smem:$0x3FAE]  }
0x2a: {  	p0 =	seq.s32 s5, $0x0;
	s5 =	sld [smem:$0x3FAF]  }
0x2b: {  	s6 =	sld [smem:$0x3FB0]  }
0x2c: {  	s7 =	sld [smem:$0x3FB1]  }
0x2d: {  	s3 =	simm.s32 $0x108;
	s8 =	sld [smem:$0x3FB2]  }
0x2e: {  	s3 =	simm.s32 @!p0 $0x1082;
	s9 =	sld [smem:$0x3FB3]  }
0x2f: {  	lr =	sadd.s32 s0, s3;
	s0 =	sld [smem:$0x3FAA]  }
0x30: {  	s3 =	sld [smem:$0x3FAD]  }
0x31: {  	[smem:$0x3FB6] =	sst s10  }
0x32: {  	s10 =	sld [smem:$0x3FB4];
	_ =	sdelay $0x3  }
0x33: {  	p0 =	seq.s32 s10, $0x1;
	s10 =	sld [smem:$0x3FB6];
	_ =	sdelay $0x3  }
0x34: {  	[smem:$0x3FB6] =	sst s10  }
0x35: {  	s10 =	sld [smem:$0x3FB5];
	_ =	sdelay $0x3  }
0x36: {  	p1 =	seq.s32 s10, $0x1;
	s10 =	sld [smem:$0x3FB6];
	_ =	sdelay $0x3  }
0x37: {  	[smem:$0x3FB6] =	sst s10  }
0x38: {  	s10 =	sld [smem:$0x3FB7]  }
0x39: {  	_ = 	snop;
	(pc) =	sbr.ind lr, $3  }
0x3a: {  	_ = 	snop  }
0x3b: {  	_ = 	snop  }
0x3c: {  	p2 =	seq.s32 s10, $0x1;
	s10 =	sld [smem:$0x3FB6]  }
0x3d: {  	_ =	shalt  }
0x3e: {  	_ =	shalt  }
0x3f: {  	_ =	shalt  }
0x40: {  	_ =	shalt  }
0x41: {  	_ =	shalt  }
0x42: {  	_ =	shalt  }
0x43: {  	_ =	shalt  }
0x44: {  	_ =	shalt  }
0x45: {  	_ =	shalt  }
0x46: {  	_ =	shalt  }
0x47: {  	_ =	shalt  }
0x48: {  	_ =	shalt  }
0x49: {  	_ =	shalt  }
0x4a: {  	_ =	shalt  }
0x4b: {  	_ =	shalt  }
0x4c: {  	_ =	shalt  }
0x4d: {  	_ =	shalt  }
0x4e: {  	_ =	shalt  }
0x4f: {  	_ =	shalt  }
0x50: {  	_ =	shalt  }
0x51: {  	_ =	shalt  }
0x52: {  	_ =	shalt  }
0x53: {  	_ =	shalt  }
0x54: {  	_ =	shalt  }
0x55: {  	_ =	shalt  }
0x56: {  	_ =	shalt  }
0x57: {  	_ =	shalt  }
0x58: {  	_ =	shalt  }
0x59: {  	_ =	shalt  }
0x5a: {  	_ =	shalt  }
0x5b: {  	_ =	shalt  }
0x5c: {  	_ =	shalt  }
0x5d: {  	_ =	shalt  }
0x5e: {  	_ =	shalt  }
0x5f: {  	_ =	shalt  }
0x60: {  	_ =	shalt  }
0x61: {  	_ =	shalt  }
0x62: {  	_ =	shalt  }
0x63: {  	_ =	shalt  }
0x64: {  	_ =	shalt  }
0x65: {  	_ =	shalt  }
0x66: {  	_ =	shalt  }
0x67: {  	_ =	shalt  }
0x68: {  	_ =	shalt  }
0x69: {  	_ =	shalt  }
0x6a: {  	_ =	shalt  }
0x6b: {  	_ =	shalt  }
0x6c: {  	_ =	shalt  }
0x6d: {  	_ =	shalt  }
0x6e: {  	_ =	shalt  }
0x6f: {  	_ =	shalt  }
0x70: {  	_ =	shalt  }
0x71: {  	_ =	shalt  }
0x72: {  	_ =	shalt  }
0x73: {  	_ =	shalt  }
0x74: {  	_ =	shalt  }
0x75: {  	_ =	shalt  }
0x76: {  	_ =	shalt  }
0x77: {  	_ =	shalt  }
0x78: {  	_ =	shalt  }
0x79: {  	_ =	shalt  }
0x7a: {  	_ =	shalt  }
0x7b: {  	_ =	shalt  }
0x7c: {  	_ =	shalt  }
0x7d: {  	_ =	shalt  }
0x7e: {  	_ =	shalt  }
0x7f: {  	_ =	shalt  }
0x80: {  	_ =	shalt  }
0x81: {  	_ =	shalt  }
0x82: {  	_ =	shalt  }
0x83: {  	_ =	shalt  }
0x84: {  	_ =	shalt  }
0x85: {  	_ =	shalt  }
0x86: {  	_ =	shalt  }
0x87: {  	_ =	shalt  }
.Lfunc_end0:
.L_simem_size_0:
called_computation.1_lowered:
.L_overlay_start_0:
0x88: {  	s2 =	sld [smem:$0x3FD9]  }
0x89: {  	s3 =	sld [smem:$0x3FFE];
	_ =	sdelay $0x1  }
0x8a: {  	s1 =	srdreg.scid  }
0x8b: {  	s0 =	sand.u32 $0x1, s1  }
0x8c: {  	s16 =	sshll.u32 s0, $0xA;
	s2 =	sadd.s32 s3, s2  }
0x8d: {  	s2 =	sadd.s32 s2, s16  }
0x8e: {  	[smem:$0x3FC2] =	sst s2  }
0x8f: {  	_ = 	snop  }
0x90: {  	(tm) =	ssettm $0x1  }
0x91: {  	s17 =	sld [smem:$0x3FFB];
	_ =	sdelay $0x3  }
0x92: {  	_ =	strace s17  }
0x93: {  	s2 =	sld [smem:$0x3FFC];
	_ =	sdelay $0x3  }
0x94: {  	_ =	strace s2  }
0x95: {  	s2 =	sld [smem:$0x3FFD];
	_ =	sdelay $0x3  }
0x96: {  	_ =	strace s2  }
0x97: {  	_ =	strace $0x8FFFFFFF  }
0x98: {  	s18 =	sld [smem:$0x3FDB];
	_ =	sdelay $0x1  }
0x99: {  	s19 =	simm.s32 $_scs_section_size  }
0x9a: {  	s4 =	simm.s32 $_size__tile_overlayer_lowered;
	s5 =	simm.s32 $_tile_overlayer_lowered  }
0x9b: {  	s22 =	simm.s32 $0x1BFF;
	s21 =	sshll.u32 s5, $0x1;
	s2 =	sadd.s32 s19, s18  }
0x9c: {  	s6 =	simm.s32 $0x0;
	s20 =	sshll.u32 s4, $0x1;
	s4 =	sadd.s32 s21, s2  }
0x9d: {  	[timem:s6], [sflag:s22] =	dma.local [hbm:s4], s20  }
0x9e: {  	_ =	swait.ge [sflag:s22], s20  }
0x9f: {  	s3 =	ssub.s32 $0x0, s20;
	[sflag:s22] =	ssyncset.done $0x0  }
0xa0: {  	[sflag:s22] =	ssyncadd.s32 s3;
	_ =	sdelay $0x1  }
0xa1: {  	s23 =	simm.s32 $0x1B8B  }
0xa2: {  	_ =	swait.ge [sflag:s23], $0x1  }
0xa3: {  	[sflag:s23] =	ssyncset.done $0x0  }
0xa4: {  	s25 =	simm.s32 $0x1B8E;
	s24 =	sld [smem:$0x3FFE];
	[sflag:s23] =	ssyncadd.s32 $0xFFFFFFFF  }
0xa5: {  	s26 =	simm.s32 $execute0_lowered;
	[smem:$0x3FD2] =	sst s25  }
0xa6: {  	s4 =	sshll.u32 s26, $0x1;
	_ =	strace $0x80000049;
	[dreg:$0x1] =	wrdreg $0xFFFFFFFF  }
0xa7: {  	s28 =	simm.s32 $_size_execute0_lowered;
	s2 =	sadd.s32 s2, s4;
	[dreg:$0x0] =	wrdreg $0x0  }
0xa8: {  	s4 =	sshll.u32 s28, $0x1;
	[dreg:$0x2] =	wrdreg s2  }
0xa9: {  	[dreg:$0x3] =	wrdreg s4  }
0xaa: {  	[dreg:$0x4] =	wrdreg $0xC0  }
0xab: {  	_ =	task [dreg:s6], $0x5FFFF  }
0xac: {  	[dreg:$0x1] =	wrdreg $0xFFFFFFFF  }
0xad: {  	[dreg:$0x0] =	wrdreg $0x60  }
0xae: {  	[dreg:$0x2] =	wrdreg s24  }
0xaf: {  	[dreg:$0x3] =	wrdreg $0x50000  }
0xb0: {  	[dreg:$0x4] =	wrdreg $0x9  }
0xb1: {  	_ =	task.clear_ibuf [dreg:s6], $0x5FFFF;
	_ =	strace $0x90000049  }
0xb2: {  	s29 =	simm.s32 $0x9;
	_ =	strace $0x8000004B  }
0xb3: {  	_ =	swait.ge [sflag:s29], $0x1  }
0xb4: {  	[sflag:s29] =	ssyncadd.s32 $0xFFFFFFFF  }
0xb5: {  	_ =	strace $0x9000004B  }
0xb6: {  	_ =	sfence  }
0xb7: {  	s30 =	sld [smem:$0x0];
	_ =	sdelay $0x2  }
0xb8: {  	s31 =	sshll.u32 s1, $0xD;
	s1 =	sshrl.u32 s1, $0x2  }
0xb9: {  	s3 =	sand.u32 $0x4000, s31;
	s1 =	sadd.s32 s1, s30  }
0xba: {  	s0 =	sor.u32 s3, s0;
	s1 =	sshll.u32 s1, $0x11  }
0xbb: {  	s0 =	sor.u32 s1, s0  }
0xbc: {  	s0 =	sadd.s32 $0x8F2B, s0  }
0xbd: {  	[sflag:s0] =	ssyncadd.remote.s32 $0x1  }
0xbe: {  	_ =	sfence.sel $0xFFFF  }
0xbf: {  	[dreg:$0x0] =	wrdreg $0xFFFFFFFF;
	(pc) =	sbr.abs _section_cstart, $3  }
0xc0: {  	[dreg:$0x1] =	wrdreg $0xFFFFFFFF  }
0xc1: {  	_ =	task.clear_ibuf [dreg:s6], $0x2FFFF;
	_ =	strace $0x9FFFFFFF  }
0xc2: {  	(tm) =	ssettm $0x7FFFFFFF  }
0xc3: {  	_ =	shalt  }
tec
execute0_lowered:
.L_overlay_start_1:
0x0: {  	(tag) =	ssettag $0x1  }
0x1: {  	s0 =	srdreg.scid;
	s5 =	rddreg [dreg:$0x0]  }
0x2: {  	s9 =	stileid.u32;
	s2 =	rddreg [dreg:$0x1]  }
0x3: {  	s3 =	simm.s32 $0x0;
	s28 =	simm.s32 $0x5;
	s30 =	simm.s32 $0x28  }
0x4: {  	s31 =	simm.s32 $0x19000;
	s29 =	simm.s32 $0x1B800;
	s0 =	sand.u32 $0x1, s0  }
0x5: {  	[smem:$0x7FF] =	sst s3;
	s7 =	smul.u32 $0x14000, s9;
	s4 =	sadd.s32 $0x66400, s5  }
0x6: {  	s1 =	sshll.u32 s0, $0x4;
	s6 =	smul.u32 $0x140000, s0;
	_ =	strace $0x8000004A  }
0x7: {  	s0 =	ssub.s32 $0x2, s0;
	s1 =	sor.u32 s9, s1;
	s9 =	smul.u32 $0x50000, s9  }
0x8: {  	s8 =	sshrl.u32 s0, $0x1;
	s11 =	sadd.s32 s7, s2;
	s1 =	smul.u32 $0x500, s1  }
0x9: {  	s6 =	sadd.s32 s7, s6;
	s0 =	ssub.s32 s0, s8;
	s7 =	simm.s32 $0x4  }
0xa: {  	s6 =	sshrl.u32 s6, $0x3;
	s10 =	sshrl.u32 s9, $0x2;
	s0 =	smax.u32 s0, $0x1  }
0xb: {  	s1 =	sadd.s32 s1, s5;
	s5 =	sadd.s32 s6, s5;
	[dreg:$0x6] =	wrdreg s0  }
0xc: {  	s9 =	sadd.s32 s10, s2;
	s0 =	simm.s32 $0x1;
	s6 =	simm.s32 $0x3  }
0xd: {  	s26 =	sadd.s32 $0x2400, s1;
	s1 =	sadd.s32 $0xC400, s1;
	s8 =	sadd.s32 $0x8E400, s5  }
0xe: {  	s25 =	sadd.s32 $0x1400, s9;
	s12 =	sadd.s32 $0x3C00, s9;
	s13 =	sadd.s32 $0x5000, s9  }
0xf: {  	s14 =	sadd.s32 $0x6400, s9;
	s15 =	sadd.s32 $0x7800, s9;
	s16 =	sadd.s32 $0x8C00, s9  }
0x10: {  	s17 =	sadd.s32 $0xA000, s9;
	s18 =	sadd.s32 $0xB400, s9;
	s19 =	sadd.s32 $0xC800, s9  }
0x11: {  	s20 =	sadd.s32 $0xDC00, s9;
	s21 =	sadd.s32 $0xF000, s9;
	[dreg:$0x3] =	wrdreg s26  }
0x12: {  	s22 =	sadd.s32 $0x10400, s9;
	s23 =	sadd.s32 $0x11800, s9;
	[dreg:$0x4] =	wrdreg s1  }
0x13: {  	s24 =	sadd.s32 $0x12C00, s9;
	s5 =	simm.s32 $0x2;
	[dreg:$0x5] =	wrdreg s8  }
0x14: {  	[dreg:$0x7] =	wrdreg s25;
	s26 =	sadd.s32 $0x2800, s9;
	s25 =	sshrl.u32 s11, $0x3  }
0x15: {  	v0 =	vimm.f32 $0.0e+00;
	s1 =	simm.s32 $0x1A400;
	[dreg:$0x8] =	wrdreg s26;
	s26 =	simm.s32 $0x1CC00  }
.LBB2_1:
0x16: {  	s8 =	simm.s32 $0x0;
	s10 =	simm.s32 $0x200  }
.LBB2_2:
0x17: {  	p0 =	sne.s32 s10, $0x4E00;
	[tilespmem:s8+$0x1CC70] =	vst v0  }
0x18: {  	[tilespmem:s8+$0x1CC00] =	vst v0  }
0x19: {  	[tilespmem:s8+$0x1CC10] =	vst v0  }
.Ltmp0:
0x1a: {  	[tilespmem:s8+$0x1CC20] =	vst v0;
	(pc) =	sbr.rel @p0 .LBB2_2-.Ltmp0, $4  }
0x1b: {  	[tilespmem:s8+$0x1CC30] =	vst v0  }
0x1c: {  	[tilespmem:s8+$0x1CC40] =	vst v0  }
0x1d: {  	[tilespmem:s8+$0x1CC50] =	vst v0  }
0x1e: {  	[tilespmem:s8+$0x1CC60] =	vst v0;
	s8 =	sshra.s32 s10, $0x2;
	s10 =	sadd.s32 $0x200, s10  }
0x1f: {  	[tilespmem:s8+$0x1CC70] =	vst v0  }
0x20: {  	[tilespmem:s8+$0x1CC00] =	vst v0  }
0x21: {  	[tilespmem:s8+$0x1CC10] =	vst v0  }
0x22: {  	[tilespmem:s8+$0x1CC20] =	vst v0  }
0x23: {  	[tilespmem:s8+$0x1CC30] =	vst v0  }
0x24: {  	[tilespmem:s8+$0x1CC40] =	vst v0  }
0x25: {  	[tilespmem:s8+$0x1CC50] =	vst v0  }
0x26: {  	[tilespmem:s8+$0x1CC60] =	vst v0  }
0x27: {  	[spmem:s9] =	stream.linear.scatter [tilespmem:s26], [sflag:$0x5], $0x1400, $0x38;
	[tilespmem:$0x1E000] =	vst v63  }
0x28: {  	_ =	swait.ge [sflag:s28], $0x1400  }
0x29: {  	[sflag:s28] =	ssyncset.done $0x0  }
0x2a: {  	s11 =	rddreg [dreg:$0x7];
	[sflag:s28] =	ssyncadd.s32 $0xFFFFEC00  }
0x2b: {  	[spmem:s11] =	stream.linear.scatter [tilespmem:s26], [sflag:$0x5], $0x1400, $0x38;
	[tilespmem:$0x1E000] =	vst v63  }
0x2c: {  	_ =	swait.ge [sflag:s28], $0x1400  }
0x2d: {  	[sflag:s28] =	ssyncset.done $0x0  }
0x2e: {  	s10 =	rddreg [dreg:$0x8];
	[sflag:s28] =	ssyncadd.s32 $0xFFFFEC00  }
0x2f: {  	[spmem:s10] =	stream.linear.scatter [tilespmem:s26], [sflag:$0x5], $0x1400, $0x38;
	[tilespmem:$0x1E000] =	vst v63  }
0x30: {  	_ =	swait.ge [sflag:s28], $0x1400  }
0x31: {  	[sflag:s28] =	ssyncset.done $0x0  }
0x32: {  	[sflag:s28] =	ssyncadd.s32 $0xFFFFEC00  }
0x33: {  	[spmem:s12] =	stream.linear.scatter [tilespmem:s26], [sflag:$0x5], $0x1400, $0x38;
	[tilespmem:$0x1E000] =	vst v63  }
0x34: {  	_ =	swait.ge [sflag:s28], $0x1400  }
0x35: {  	[sflag:s28] =	ssyncset.done $0x0  }
0x36: {  	[sflag:s28] =	ssyncadd.s32 $0xFFFFEC00  }
0x37: {  	[spmem:s13] =	stream.linear.scatter [tilespmem:s26], [sflag:$0x5], $0x1400, $0x38;
	[tilespmem:$0x1E000] =	vst v63  }
0x38: {  	_ =	swait.ge [sflag:s28], $0x1400  }
0x39: {  	[sflag:s28] =	ssyncset.done $0x0  }
0x3a: {  	[sflag:s28] =	ssyncadd.s32 $0xFFFFEC00  }
0x3b: {  	[spmem:s14] =	stream.linear.scatter [tilespmem:s26], [sflag:$0x5], $0x1400, $0x38;
	[tilespmem:$0x1E000] =	vst v63  }
0x3c: {  	_ =	swait.ge [sflag:s28], $0x1400  }
0x3d: {  	[sflag:s28] =	ssyncset.done $0x0  }
0x3e: {  	[sflag:s28] =	ssyncadd.s32 $0xFFFFEC00  }
0x3f: {  	[spmem:s15] =	stream.linear.scatter [tilespmem:s26], [sflag:$0x5], $0x1400, $0x38;
	[tilespmem:$0x1E000] =	vst v63  }
0x40: {  	_ =	swait.ge [sflag:s28], $0x1400  }
0x41: {  	[sflag:s28] =	ssyncset.done $0x0  }
0x42: {  	[sflag:s28] =	ssyncadd.s32 $0xFFFFEC00  }
0x43: {  	[spmem:s16] =	stream.linear.scatter [tilespmem:s26], [sflag:$0x5], $0x1400, $0x38;
	[tilespmem:$0x1E000] =	vst v63  }
0x44: {  	_ =	swait.ge [sflag:s28], $0x1400  }
0x45: {  	[sflag:s28] =	ssyncset.done $0x0  }
0x46: {  	[sflag:s28] =	ssyncadd.s32 $0xFFFFEC00  }
0x47: {  	[spmem:s17] =	stream.linear.scatter [tilespmem:s26], [sflag:$0x5], $0x1400, $0x38;
	[tilespmem:$0x1E000] =	vst v63  }
0x48: {  	_ =	swait.ge [sflag:s28], $0x1400  }
0x49: {  	[sflag:s28] =	ssyncset.done $0x0  }
0x4a: {  	[sflag:s28] =	ssyncadd.s32 $0xFFFFEC00  }
0x4b: {  	[spmem:s18] =	stream.linear.scatter [tilespmem:s26], [sflag:$0x5], $0x1400, $0x38;
	[tilespmem:$0x1E000] =	vst v63  }
0x4c: {  	_ =	swait.ge [sflag:s28], $0x1400  }
0x4d: {  	[sflag:s28] =	ssyncset.done $0x0  }
0x4e: {  	[sflag:s28] =	ssyncadd.s32 $0xFFFFEC00  }
0x4f: {  	[spmem:s19] =	stream.linear.scatter [tilespmem:s26], [sflag:$0x5], $0x1400, $0x38;
	[tilespmem:$0x1E000] =	vst v63  }
0x50: {  	_ =	swait.ge [sflag:s28], $0x1400  }
0x51: {  	[sflag:s28] =	ssyncset.done $0x0  }
0x52: {  	[sflag:s28] =	ssyncadd.s32 $0xFFFFEC00  }
0x53: {  	[spmem:s20] =	stream.linear.scatter [tilespmem:s26], [sflag:$0x5], $0x1400, $0x38;
	[tilespmem:$0x1E000] =	vst v63  }
0x54: {  	_ =	swait.ge [sflag:s28], $0x1400  }
0x55: {  	[sflag:s28] =	ssyncset.done $0x0  }
0x56: {  	[sflag:s28] =	ssyncadd.s32 $0xFFFFEC00  }
0x57: {  	[spmem:s21] =	stream.linear.scatter [tilespmem:s26], [sflag:$0x5], $0x1400, $0x38;
	[tilespmem:$0x1E000] =	vst v63  }
0x58: {  	_ =	swait.ge [sflag:s28], $0x1400  }
0x59: {  	[sflag:s28] =	ssyncset.done $0x0  }
0x5a: {  	[sflag:s28] =	ssyncadd.s32 $0xFFFFEC00  }
0x5b: {  	[spmem:s22] =	stream.linear.scatter [tilespmem:s26], [sflag:$0x5], $0x1400, $0x38;
	[tilespmem:$0x1E000] =	vst v63  }
0x5c: {  	_ =	swait.ge [sflag:s28], $0x1400  }
0x5d: {  	[sflag:s28] =	ssyncset.done $0x0  }
0x5e: {  	[sflag:s28] =	ssyncadd.s32 $0xFFFFEC00  }
0x5f: {  	[spmem:s23] =	stream.linear.scatter [tilespmem:s26], [sflag:$0x5], $0x1400, $0x38;
	[tilespmem:$0x1E000] =	vst v63  }
0x60: {  	_ =	swait.ge [sflag:s28], $0x1400  }
0x61: {  	[sflag:s28] =	ssyncset.done $0x0  }
0x62: {  	[sflag:s28] =	ssyncadd.s32 $0xFFFFEC00  }
0x63: {  	[spmem:s24] =	stream.linear.scatter [tilespmem:s26], [sflag:$0x5], $0x1400, $0x38;
	[tilespmem:$0x1E000] =	vst v63  }
0x64: {  	_ =	swait.ge [sflag:s28], $0x1400  }
0x65: {  	s8 =	simm.s32 $0x0;
	[sflag:s28] =	ssyncset.done $0x0  }
0x66: {  	s11 =	simm.s32 $0x2800;
	s10 =	rddreg [dreg:$0x3];
	[sflag:s28] =	ssyncadd.s32 $0xFFFFEC00  }
0x67: {  	[tilespmem:s11], [sflag:$0x5] =	stream.linear.gather [hbm4b:s10+s8], $0x2800, $0x38;
	[tilespmem:$0x1E000] =	vst v63  }
0x68: {  	_ =	swait.ge [sflag:s28], $0x2800  }
0x69: {  	[sflag:s28] =	ssyncset.done $0x0  }
0x6a: {  	s11 =	rddreg [dreg:$0x4];
	[sflag:s28] =	ssyncadd.s32 $0xFFFFD800  }
0x6b: {  	[tilespmem:s8], [sflag:$0x5] =	stream.linear.gather [hbm4b:s11+s8], $0x2800, $0x38;
	[tilespmem:$0x1E000] =	vst v63  }
0x6c: {  	_ =	swait.ge [sflag:s28], $0x2800  }
0x6d: {  	[sflag:s28] =	ssyncset.done $0x0  }
0x6e: {  	[sflag:s28] =	ssyncadd.s32 $0xFFFFD800  }
0x6f: {  	[bflag:$0x0] =	sbarrier.arrive $0xFFFF  }
0x70: {  	[tilespmem:s31], [sflag:$0x1] =	stream.indirect.gather [hbm4b:s4+s30], $0x80, s8, s30, $0xb8;
	[tilespmem:$0x1E000] =	vst v63  }
0x71: {  	_ = 	snop  }
0x72: {  	[tilespmem:s1], [sflag:$0x2] =	stream.indirect.gather [hbm4b:s4+s30], $0x80, s30, s30, $0xb8;
	[tilespmem:$0x1E000] =	vst v63  }
0x73: {  	s11 =	simm.s32 $0x50  }
0x74: {  	[tilespmem:s29], [sflag:$0x3] =	stream.indirect.gather [hbm4b:s4+s30], $0x80, s11, s30, $0xb8;
	[tilespmem:$0x1E000] =	vst v63  }
0x75: {  	s10 =	simm.s32 $0x78  }
0x76: {  	[tilespmem:s26], [sflag:$0x4] =	stream.indirect.gather [hbm4b:s4+s30], $0x80, s10, s30, $0xb8;
	[tilespmem:$0x1E000] =	vst v63  }
0x77: {  	_ =	swait.ge [sflag:s0], $0x1400  }
0x78: {  	[sflag:s0] =	ssyncset.done $0x0  }
0x79: {  	s11 =	simm.s32 $0x2800;
	[sflag:s0] =	ssyncadd.s32 $0xFFFFEC00  }
0x7a: {  	[spmem:s2] =	stream.indirect.scatter.add.f32 [tilespmem:s31], [sflag:$0x5], $0x80, s11, s30, $0xb8;
	[tilespmem:$0x1E000] =	vst v63  }
0x7b: {  	_ =	swait.ge [sflag:s28], $0x1400  }
0x7c: {  	[sflag:s28] =	ssyncset.done $0x0  }
0x7d: {  	s10 =	simm.s32 $0xA0;
	[sflag:s28] =	ssyncadd.s32 $0xFFFFEC00  }
0x7e: {  	[tilespmem:s31], [sflag:$0x1] =	stream.indirect.gather [hbm4b:s4+s30], $0x80, s10, s30, $0xb8;
	[tilespmem:$0x1E000] =	vst v63  }
0x7f: {  	_ =	swait.ge [sflag:s5], $0x1400  }
0x80: {  	[sflag:s5] =	ssyncset.done $0x0  }
0x81: {  	s11 =	simm.s32 $0x2828;
	[sflag:s5] =	ssyncadd.s32 $0xFFFFEC00  }
0x82: {  	[spmem:s2] =	stream.indirect.scatter.add.f32 [tilespmem:s1], [sflag:$0x5], $0x80, s11, s30, $0xb8;
	[tilespmem:$0x1E000] =	vst v63  }
0x83: {  	_ =	swait.ge [sflag:s28], $0x1400  }
0x84: {  	[sflag:s28] =	ssyncset.done $0x0  }
0x85: {  	s10 =	simm.s32 $0xC8;
	[sflag:s28] =	ssyncadd.s32 $0xFFFFEC00  }
0x86: {  	[tilespmem:s1], [sflag:$0x2] =	stream.indirect.gather [hbm4b:s4+s30], $0x80, s10, s30, $0xb8;
	[tilespmem:$0x1E000] =	vst v63  }
0x87: {  	_ =	swait.ge [sflag:s6], $0x1400  }
0x88: {  	[sflag:s6] =	ssyncset.done $0x0  }
0x89: {  	s11 =	simm.s32 $0x2850;
	[sflag:s6] =	ssyncadd.s32 $0xFFFFEC00  }
0x8a: {  	[spmem:s2] =	stream.indirect.scatter.add.f32 [tilespmem:s29], [sflag:$0x5], $0x80, s11, s30, $0xb8;
	[tilespmem:$0x1E000] =	vst v63  }
0x8b: {  	_ =	swait.ge [sflag:s28], $0x1400  }
0x8c: {  	[sflag:s28] =	ssyncset.done $0x0  }
0x8d: {  	s10 =	simm.s32 $0xF0;
	[sflag:s28] =	ssyncadd.s32 $0xFFFFEC00  }
0x8e: {  	[tilespmem:s29], [sflag:$0x3] =	stream.indirect.gather [hbm4b:s4+s30], $0x80, s10, s30, $0xb8;
	[tilespmem:$0x1E000] =	vst v63  }
0x8f: {  	_ =	swait.ge [sflag:s7], $0x1400  }
0x90: {  	[sflag:s7] =	ssyncset.done $0x0  }
0x91: {  	s11 =	simm.s32 $0x2878;
	[sflag:s7] =	ssyncadd.s32 $0xFFFFEC00  }
0x92: {  	[spmem:s2] =	stream.indirect.scatter.add.f32 [tilespmem:s26], [sflag:$0x5], $0x80, s11, s30, $0xb8;
	[tilespmem:$0x1E000] =	vst v63  }
0x93: {  	_ =	swait.ge [sflag:s28], $0x1400  }
0x94: {  	[sflag:s28] =	ssyncset.done $0x0  }
0x95: {  	s8 =	simm.s32 $0x280;
	s10 =	simm.s32 $0x118;
	[sflag:s28] =	ssyncadd.s32 $0xFFFFEC00  }
.LBB2_4:
0x96: {  	[tilespmem:s26], [sflag:$0x4] =	stream.indirect.gather [hbm4b:s4+s30], $0x80, s10, s30, $0xb8;
	[tilespmem:$0x1E000] =	vst v63  }
0x97: {  	s10 =	smov.u32 s8  }
0x98: {  	p0 =	sne.s32 s8, $0x9B00;
	s8 =	sadd.s32 $0x280, s8;
	_ =	swait.ge [sflag:s0], $0x1400  }
0x99: {  	s10 =	sshra.s32 s10, $0x2;
	[sflag:s0] =	ssyncset.done $0x0  }
0x9a: {  	s11 =	sadd.s32 $0x2800, s10;
	[sflag:s0] =	ssyncadd.s32 $0xFFFFEC00  }
0x9b: {  	[spmem:s2] =	stream.indirect.scatter.add.f32 [tilespmem:s31], [sflag:$0x5], $0x80, s11, s30, $0xb8;
	[tilespmem:$0x1E000] =	vst v63  }
0x9c: {  	_ =	swait.ge [sflag:s28], $0x1400  }
0x9d: {  	[sflag:s28] =	ssyncset.done $0x0  }
0x9e: {  	s11 =	sadd.s32 $0xA0, s10;
	[sflag:s28] =	ssyncadd.s32 $0xFFFFEC00  }
0x9f: {  	[tilespmem:s31], [sflag:$0x1] =	stream.indirect.gather [hbm4b:s4+s30], $0x80, s11, s30, $0xb8;
	[tilespmem:$0x1E000] =	vst v63  }
0xa0: {  	_ =	swait.ge [sflag:s5], $0x1400  }
0xa1: {  	[sflag:s5] =	ssyncset.done $0x0  }
0xa2: {  	s11 =	sadd.s32 $0x2828, s10;
	[sflag:s5] =	ssyncadd.s32 $0xFFFFEC00  }
0xa3: {  	[spmem:s2] =	stream.indirect.scatter.add.f32 [tilespmem:s1], [sflag:$0x5], $0x80, s11, s30, $0xb8;
	[tilespmem:$0x1E000] =	vst v63  }
0xa4: {  	_ =	swait.ge [sflag:s28], $0x1400  }
0xa5: {  	[sflag:s28] =	ssyncset.done $0x0  }
0xa6: {  	s11 =	sadd.s32 $0xC8, s10;
	[sflag:s28] =	ssyncadd.s32 $0xFFFFEC00  }
0xa7: {  	[tilespmem:s1], [sflag:$0x2] =	stream.indirect.gather [hbm4b:s4+s30], $0x80, s11, s30, $0xb8;
	[tilespmem:$0x1E000] =	vst v63  }
0xa8: {  	_ =	swait.ge [sflag:s6], $0x1400  }
0xa9: {  	[sflag:s6] =	ssyncset.done $0x0  }
0xaa: {  	s11 =	sadd.s32 $0x2850, s10;
	[sflag:s6] =	ssyncadd.s32 $0xFFFFEC00  }
0xab: {  	[spmem:s2] =	stream.indirect.scatter.add.f32 [tilespmem:s29], [sflag:$0x5], $0x80, s11, s30, $0xb8;
	[tilespmem:$0x1E000] =	vst v63  }
0xac: {  	_ =	swait.ge [sflag:s28], $0x1400  }
0xad: {  	[sflag:s28] =	ssyncset.done $0x0  }
0xae: {  	s11 =	sadd.s32 $0xF0, s10;
	[sflag:s28] =	ssyncadd.s32 $0xFFFFEC00  }
0xaf: {  	[tilespmem:s29], [sflag:$0x3] =	stream.indirect.gather [hbm4b:s4+s30], $0x80, s11, s30, $0xb8;
	[tilespmem:$0x1E000] =	vst v63  }
0xb0: {  	_ =	swait.ge [sflag:s7], $0x1400  }
0xb1: {  	[sflag:s7] =	ssyncset.done $0x0  }
.Ltmp1:
0xb2: {  	s11 =	sadd.s32 $0x2878, s10;
	[sflag:s7] =	ssyncadd.s32 $0xFFFFEC00;
	(pc) =	sbr.rel @p0 .LBB2_4-.Ltmp1, $4  }
0xb3: {  	[spmem:s2] =	stream.indirect.scatter.add.f32 [tilespmem:s26], [sflag:$0x5], $0x80, s11, s30, $0xb8;
	[tilespmem:$0x1E000] =	vst v63  }
0xb4: {  	_ =	swait.ge [sflag:s28], $0x1400  }
0xb5: {  	[sflag:s28] =	ssyncset.done $0x0  }
0xb6: {  	s10 =	sadd.s32 $0x118, s10;
	[sflag:s28] =	ssyncadd.s32 $0xFFFFEC00  }
0xb7: {  	[tilespmem:s26], [sflag:$0x4] =	stream.indirect.gather [hbm4b:s4+s30], $0x80, s10, s30, $0xb8;
	[tilespmem:$0x1E000] =	vst v63  }
0xb8: {  	_ =	swait.ge [sflag:s0], $0x1400  }
0xb9: {  	[sflag:s0] =	ssyncset.done $0x0  }
0xba: {  	s8 =	simm.s32 $0x4F60;
	[sflag:s0] =	ssyncadd.s32 $0xFFFFEC00  }
0xbb: {  	[spmem:s2] =	stream.indirect.scatter.add.f32 [tilespmem:s31], [sflag:$0x5], $0x80, s8, s30, $0xb8;
	[tilespmem:$0x1E000] =	vst v63  }
0xbc: {  	_ =	swait.ge [sflag:s28], $0x1400  }
0xbd: {  	[sflag:s28] =	ssyncset.done $0x0  }
0xbe: {  	[sflag:s28] =	ssyncadd.s32 $0xFFFFEC00  }
0xbf: {  	_ =	swait.ge [sflag:s5], $0x1400  }
0xc0: {  	[sflag:s5] =	ssyncset.done $0x0  }
0xc1: {  	s11 =	simm.s32 $0x4F88;
	[sflag:s5] =	ssyncadd.s32 $0xFFFFEC00  }
0xc2: {  	[spmem:s2] =	stream.indirect.scatter.add.f32 [tilespmem:s1], [sflag:$0x5], $0x80, s11, s30, $0xb8;
	[tilespmem:$0x1E000] =	vst v63  }
0xc3: {  	_ =	swait.ge [sflag:s28], $0x1400  }
0xc4: {  	[sflag:s28] =	ssyncset.done $0x0  }
0xc5: {  	[sflag:s28] =	ssyncadd.s32 $0xFFFFEC00  }
0xc6: {  	_ =	swait.ge [sflag:s6], $0x1400  }
0xc7: {  	[sflag:s6] =	ssyncset.done $0x0  }
0xc8: {  	s10 =	simm.s32 $0x4FB0;
	[sflag:s6] =	ssyncadd.s32 $0xFFFFEC00  }
0xc9: {  	[spmem:s2] =	stream.indirect.scatter.add.f32 [tilespmem:s29], [sflag:$0x5], $0x80, s10, s30, $0xb8;
	[tilespmem:$0x1E000] =	vst v63  }
0xca: {  	_ =	swait.ge [sflag:s28], $0x1400  }
0xcb: {  	[sflag:s28] =	ssyncset.done $0x0  }
0xcc: {  	[sflag:s28] =	ssyncadd.s32 $0xFFFFEC00  }
0xcd: {  	_ =	swait.ge [sflag:s7], $0x1400  }
0xce: {  	[sflag:s7] =	ssyncset.done $0x0  }
0xcf: {  	s11 =	simm.s32 $0x4FD8;
	[sflag:s7] =	ssyncadd.s32 $0xFFFFEC00  }
0xd0: {  	[spmem:s2] =	stream.indirect.scatter.add.f32 [tilespmem:s26], [sflag:$0x5], $0x80, s11, s30, $0xb8;
	[tilespmem:$0x1E000] =	vst v63  }
0xd1: {  	_ =	swait.ge [sflag:s28], $0x1400  }
0xd2: {  	[sflag:s28] =	ssyncset.done $0x0  }
0xd3: {  	s10 =	stileid.u32;
	[sflag:s28] =	ssyncadd.s32 $0xFFFFEC00  }
0xd4: {  	s8 =	sshll.u32 s10, $0x6;
	[bflag:$0x0] =	sbarrier.arrive $0xFFFF  }
0xd5: {  	s8 =	sor.u32 $0x1C05, s8;
	s11 =	rddreg [dreg:$0x5]  }
0xd6: {  	[hbm:s11], [sflag:s8] =	dma.local [spmem:s25], $0x2800  }
0xd7: {  	_ =	swait.ge [sflag:s28], $0x2800  }
0xd8: {  	s3 =	sadd.s32 $0x1, s3;
	s11 =	rddreg [dreg:$0x6]  }
0xd9: {  	p0 =	sne.s32 s3, s11  }
.Ltmp2:
0xda: {  	_ = 	snop;
	(pc) =	sbr.rel @p0 .LBB2_1-.Ltmp2, $3  }
0xdb: {  	_ =	sdelay $0x1  }
0xdc: {  	[sflag:s28] =	ssyncset.done $0x0  }
0xdd: {  	[sflag:s28] =	ssyncadd.s32 $0xFFFFD800  }
0xde: {  	_ =	sfence.sel $0x180000  }
0xdf: {  	[bflag:$0x0] =	sbarrier.arrive $0xFFFF  }
0xe0: {  	_ =	strace $0x9000004A  }
0xe1: {  	s0 =	stileid.u32;
	[bflag:$0x2] =	sbarrier.arrive $0xFFFF  }
0xe2: {  	p0 =	sne.s32 s0, $0x0;
	s0 =	rddreg [dreg:$0x2]  }
0xe3: {  	s0 =	sadd.s32 @!p0 $0x100000, s0  }
0xe4: {  	[sflag:s0] =	ssyncadd.tile.s32 @!p0 $0x1;
	_ =	shalt  }
.Lfunc_end2:
_tile_overlayer_lowered:
.L_overlay_start_2:
0xe5: {  	(tag) =	ssettag $0x2  }
0xe6: {  	s0 =	rddreg [dreg:$0x0];
	s2 =	stileid.u32  }
0xe7: {  	s1 =	rddreg [dreg:$0x1];
	p0 =	sne.s32 s2, $0x0  }
0xe8: {  	s3 =	rddreg [dreg:$0x2];
	[bflag:$0x3] =	sbarrier.arrive $0xFFFF;
	s2 =	simm.s32 @!p0 $0x1C05  }
0xe9: {  	[timem:s3], [sflag:s2] =	dma.local @!p0 [hbm:s0], s1  }
0xea: {  	s0 =	simm.s32 @!p0 $0x5  }
0xeb: {  	_ =	swait.ge @!p0 [sflag:s0], s1  }
0xec: {  	s1 =	ssub.s32 @!p0 $0x0, s1;
	[sflag:s0] =	ssyncset.done @!p0 $0x0  }
0xed: {  	[sflag:s0] =	ssyncadd.s32 @!p0 s1  }
0xee: {  	[bflag:$0x3] =	sbarrier.arrive $0xFFFF  }
0xef: {  	_ =	shalt  }

// kernel: kernel.14.cloned.1.call-start
scs
__scs_entry_jumppad:
0x0: {  	(pc) =	sbr.rel $0x88, $3  }
0x1: {  	(tag) =	ssettag $0x0;
	lr =	simm.s32 $0x1  }
0x2: {  	[smem:$0x3F9B] =	sst lr;
	_ =	strace $0xD0000000  }
0x3: {  	_ = 	snop  }
0x4: {  	_ = 	snop  }
0x5: {  	_ = 	snop  }
0x6: {  	_ = 	snop  }
0x7: {  	_ = 	snop  }
__scs_overlays_trampoline_lowered:
0x8: {  	[smem:$0x3FAA] =	sst s0  }
0x9: {  	[smem:$0x3FAB] =	sst s1  }
0xa: {  	[smem:$0x3FAC] =	sst s2  }
0xb: {  	[smem:$0x3FAD] =	sst s3  }
0xc: {  	[smem:$0x3FAE] =	sst s4  }
0xd: {  	[smem:$0x3FAF] =	sst s5  }
0xe: {  	[smem:$0x3FB0] =	sst s6  }
0xf: {  	[smem:$0x3FB1] =	sst s7  }
0x10: {  	[smem:$0x3FB2] =	sst s8  }
0x11: {  	[smem:$0x3FB3] =	sst s9;
	s0 =	simm.s32 @!p0 $0x0  }
0x12: {  	s1 =	sld [smem:$0x3F99];
	s0 =	simm.s32 @p0 $0x1  }
0x13: {  	[smem:$0x3FB4] =	sst s0;
	s0 =	simm.s32 @!p1 $0x0  }
0x14: {  	s2 =	sld [smem:$0x3F98];
	s0 =	simm.s32 @p1 $0x1  }
0x15: {  	[smem:$0x3FB5] =	sst s0;
	s0 =	simm.s32 @!p2 $0x0  }
0x16: {  	s3 =	sld [smem:$0x3FDB];
	s0 =	simm.s32 @p2 $0x1  }
0x17: {  	s4 =	simm.s32 $0x1BF5;
	[smem:$0x3FB7] =	sst s0  }
0x18: {  	s0 =	sld [smem:$0x3F9A];
	_ =	swait.ge [sflag:s4], $0x0  }
0x19: {  	s7 =	sld [smem:$0x3F9B]  }
0x1a: {  	s8 =	sadd.s32 $0xFFFFE003, lr  }
0x1b: {  	s9 =	sadd.s32 $0xFFFFFEF7, lr;
	s5 =	simm.s32 $0xFFFFFFFF;
	p2 =	slt.u32 s8, $0xFFFFF086  }
0x1c: {  	p1 =	slt.u32 s9, $0xF7A;
	s5 =	simm.s32 @!p2 $0x0  }
0x1d: {  	s5 =	simm.s32 @p1 $0x1;
	p0 =	seq.s32 s7, s2  }
0x1e: {  	s7 =	smul.u32 @!p0 $0xF7A, s2;
	p2 =	seq.s32 @!p0 s5, $0x0  }
0x1f: {  	s9 =	smul.u32 $0xF7A, s1;
	s8 =	simm.s32 @!p0 $0x1BF5;
	p2 =	por !p2, p0  }
0x20: {  	[sflag:s8] =	ssyncset.s32 @!p0 $0xFFFFF086;
	s6 =	sadd.s32 @!p0 s3, s7;
	s7 =	simm.s32 @!p0 $0x108  }
0x21: {  	s3 =	sadd.s32 s3, s9;
	s6 =	sadd.s32 @!p0 $0x88, s6;
	s7 =	simm.s32 @p2 $0x1082  }
0x22: {  	[simem:s7], [sflag:s8] =	dma.local @!p0 [hbm:s6], $0xF7A  }
0x23: {  	s9 =	sor.u32 $0xD0000000, s2;
	s6 =	simm.s32 $0x108;
	_ =	swait.ge @!p0 [sflag:s8], $0x0  }
0x24: {  	s3 =	sadd.s32 $0x88, s3;
	s6 =	simm.s32 @!p1 $0x1082;
	[sflag:s4] =	ssyncset.s32 $0xFFFFF086  }
0x25: {  	[simem:s6], [sflag:s4] =	dma.local [hbm:s3], $0xF7A  }
0x26: {  	[smem:$0x3F9B] =	sst s1;
	(tag) =	ssettag s2;
	_ =	strace s9  }
0x27: {  	s1 =	sld [smem:$0x3FAB]  }
0x28: {  	s2 =	sld [smem:$0x3FAC]  }
0x29: {  	s4 =	sld [smem:$0x3FAE]  }
0x2a: {  	p0 =	seq.s32 s5, $0x0;
	s5 =	sld [smem:$0x3FAF]  }
0x2b: {  	s6 =	sld [smem:$0x3FB0]  }
0x2c: {  	s7 =	sld [smem:$0x3FB1]  }
0x2d: {  	s3 =	simm.s32 $0x108;
	s8 =	sld [smem:$0x3FB2]  }
0x2e: {  	s3 =	simm.s32 @!p0 $0x1082;
	s9 =	sld [smem:$0x3FB3]  }
0x2f: {  	lr =	sadd.s32 s0, s3;
	s0 =	sld [smem:$0x3FAA]  }
0x30: {  	s3 =	sld [smem:$0x3FAD]  }
0x31: {  	[smem:$0x3FB6] =	sst s10  }
0x32: {  	s10 =	sld [smem:$0x3FB4];
	_ =	sdelay $0x3  }
0x33: {  	p0 =	seq.s32 s10, $0x1;
	s10 =	sld [smem:$0x3FB6];
	_ =	sdelay $0x3  }
0x34: {  	[smem:$0x3FB6] =	sst s10  }
0x35: {  	s10 =	sld [smem:$0x3FB5];
	_ =	sdelay $0x3  }
0x36: {  	p1 =	seq.s32 s10, $0x1;
	s10 =	sld [smem:$0x3FB6];
	_ =	sdelay $0x3  }
0x37: {  	[smem:$0x3FB6] =	sst s10  }
0x38: {  	s10 =	sld [smem:$0x3FB7]  }
0x39: {  	_ = 	snop;
	(pc) =	sbr.ind lr, $3  }
0x3a: {  	_ = 	snop  }
0x3b: {  	_ = 	snop  }
0x3c: {  	p2 =	seq.s32 s10, $0x1;
	s10 =	sld [smem:$0x3FB6]  }
0x3d: {  	_ =	shalt  }
0x3e: {  	_ =	shalt  }
0x3f: {  	_ =	shalt  }
0x40: {  	_ =	shalt  }
0x41: {  	_ =	shalt  }
0x42: {  	_ =	shalt  }
0x43: {  	_ =	shalt  }
0x44: {  	_ =	shalt  }
0x45: {  	_ =	shalt  }
0x46: {  	_ =	shalt  }
0x47: {  	_ =	shalt  }
0x48: {  	_ =	shalt  }
0x49: {  	_ =	shalt  }
0x4a: {  	_ =	shalt  }
0x4b: {  	_ =	shalt  }
0x4c: {  	_ =	shalt  }
0x4d: {  	_ =	shalt  }
0x4e: {  	_ =	shalt  }
0x4f: {  	_ =	shalt  }
0x50: {  	_ =	shalt  }
0x51: {  	_ =	shalt  }
0x52: {  	_ =	shalt  }
0x53: {  	_ =	shalt  }
0x54: {  	_ =	shalt  }
0x55: {  	_ =	shalt  }
0x56: {  	_ =	shalt  }
0x57: {  	_ =	shalt  }
0x58: {  	_ =	shalt  }
0x59: {  	_ =	shalt  }
0x5a: {  	_ =	shalt  }
0x5b: {  	_ =	shalt  }
0x5c: {  	_ =	shalt  }
0x5d: {  	_ =	shalt  }
0x5e: {  	_ =	shalt  }
0x5f: {  	_ =	shalt  }
0x60: {  	_ =	shalt  }
0x61: {  	_ =	shalt  }
0x62: {  	_ =	shalt  }
0x63: {  	_ =	shalt  }
0x64: {  	_ =	shalt  }
0x65: {  	_ =	shalt  }
0x66: {  	_ =	shalt  }
0x67: {  	_ =	shalt  }
0x68: {  	_ =	shalt  }
0x69: {  	_ =	shalt  }
0x6a: {  	_ =	shalt  }
0x6b: {  	_ =	shalt  }
0x6c: {  	_ =	shalt  }
0x6d: {  	_ =	shalt  }
0x6e: {  	_ =	shalt  }
0x6f: {  	_ =	shalt  }
0x70: {  	_ =	shalt  }
0x71: {  	_ =	shalt  }
0x72: {  	_ =	shalt  }
0x73: {  	_ =	shalt  }
0x74: {  	_ =	shalt  }
0x75: {  	_ =	shalt  }
0x76: {  	_ =	shalt  }
0x77: {  	_ =	shalt  }
0x78: {  	_ =	shalt  }
0x79: {  	_ =	shalt  }
0x7a: {  	_ =	shalt  }
0x7b: {  	_ =	shalt  }
0x7c: {  	_ =	shalt  }
0x7d: {  	_ =	shalt  }
0x7e: {  	_ =	shalt  }
0x7f: {  	_ =	shalt  }
0x80: {  	_ =	shalt  }
0x81: {  	_ =	shalt  }
0x82: {  	_ =	shalt  }
0x83: {  	_ =	shalt  }
0x84: {  	_ =	shalt  }
0x85: {  	_ =	shalt  }
0x86: {  	_ =	shalt  }
0x87: {  	_ =	shalt  }
.Lfunc_end0:
.L_simem_size_0:
called_computation.2_lowered:
.L_overlay_start_0:
0x88: {  	s2 =	sld [smem:$0x3FD9]  }
0x89: {  	s3 =	sld [smem:$0x3FFE];
	_ =	sdelay $0x1  }
0x8a: {  	s1 =	srdreg.scid  }
0x8b: {  	s0 =	sand.u32 $0x1, s1  }
0x8c: {  	s16 =	sshll.u32 s0, $0xA;
	s2 =	sadd.s32 s3, s2  }
0x8d: {  	s2 =	sadd.s32 s2, s16  }
0x8e: {  	[smem:$0x3FC2] =	sst s2  }
0x8f: {  	_ = 	snop  }
0x90: {  	(tm) =	ssettm $0x1  }
0x91: {  	s17 =	sld [smem:$0x3FFB];
	_ =	sdelay $0x3  }
0x92: {  	_ =	strace s17  }
0x93: {  	s2 =	sld [smem:$0x3FFC];
	_ =	sdelay $0x3  }
0x94: {  	_ =	strace s2  }
0x95: {  	s2 =	sld [smem:$0x3FFD];
	_ =	sdelay $0x3  }
0x96: {  	_ =	strace s2  }
0x97: {  	_ =	strace $0x8FFFFFFF  }
0x98: {  	s18 =	sld [smem:$0x3FDB];
	_ =	sdelay $0x1  }
0x99: {  	s19 =	simm.s32 $_scs_section_size  }
0x9a: {  	s4 =	simm.s32 $_size__tile_overlayer_lowered;
	s5 =	simm.s32 $_tile_overlayer_lowered  }
0x9b: {  	s22 =	simm.s32 $0x1BFF;
	s21 =	sshll.u32 s5, $0x1;
	s2 =	sadd.s32 s19, s18  }
0x9c: {  	s6 =	simm.s32 $0x0;
	s20 =	sshll.u32 s4, $0x1;
	s4 =	sadd.s32 s21, s2  }
0x9d: {  	[timem:s6], [sflag:s22] =	dma.local [hbm:s4], s20  }
0x9e: {  	_ =	swait.ge [sflag:s22], s20  }
0x9f: {  	s3 =	ssub.s32 $0x0, s20;
	[sflag:s22] =	ssyncset.done $0x0  }
0xa0: {  	[sflag:s22] =	ssyncadd.s32 s3;
	_ =	sdelay $0x1  }
0xa1: {  	s23 =	simm.s32 $0x1B8B  }
0xa2: {  	_ =	swait.ge [sflag:s23], $0x1  }
0xa3: {  	[sflag:s23] =	ssyncset.done $0x0  }
0xa4: {  	s25 =	simm.s32 $0x1B8E;
	s24 =	sld [smem:$0x3FFE];
	[sflag:s23] =	ssyncadd.s32 $0xFFFFFFFF  }
0xa5: {  	s26 =	simm.s32 $execute0_lowered;
	[smem:$0x3FD2] =	sst s25  }
0xa6: {  	s4 =	sshll.u32 s26, $0x1;
	_ =	strace $0x8000004C;
	[dreg:$0x1] =	wrdreg $0xFFFFFFFF  }
0xa7: {  	s28 =	simm.s32 $_size_execute0_lowered;
	s2 =	sadd.s32 s2, s4;
	[dreg:$0x0] =	wrdreg $0x0  }
0xa8: {  	s4 =	sshll.u32 s28, $0x1;
	[dreg:$0x2] =	wrdreg s2  }
0xa9: {  	[dreg:$0x3] =	wrdreg s4  }
0xaa: {  	[dreg:$0x4] =	wrdreg $0xC0  }
0xab: {  	_ =	task [dreg:s6], $0x5FFFF  }
0xac: {  	[dreg:$0x1] =	wrdreg $0xFFFFFFFF  }
0xad: {  	[dreg:$0x0] =	wrdreg $0x60  }
0xae: {  	[dreg:$0x2] =	wrdreg s24  }
0xaf: {  	[dreg:$0x3] =	wrdreg $0x50000  }
0xb0: {  	[dreg:$0x4] =	wrdreg $0x98000  }
0xb1: {  	[dreg:$0x5] =	wrdreg $0x9  }
0xb2: {  	_ =	task.clear_ibuf [dreg:s6], $0x6FFFF;
	_ =	strace $0x9000004C  }
0xb3: {  	s29 =	simm.s32 $0x9;
	_ =	strace $0x8000004E  }
0xb4: {  	_ =	swait.ge [sflag:s29], $0x1  }
0xb5: {  	[sflag:s29] =	ssyncadd.s32 $0xFFFFFFFF  }
0xb6: {  	_ =	strace $0x9000004E  }
0xb7: {  	_ =	sfence  }
0xb8: {  	s30 =	sld [smem:$0x0];
	_ =	sdelay $0x2  }
0xb9: {  	s31 =	sshll.u32 s1, $0xD;
	s1 =	sshrl.u32 s1, $0x2  }
0xba: {  	s3 =	sand.u32 $0x4000, s31;
	s1 =	sadd.s32 s1, s30  }
0xbb: {  	s0 =	sor.u32 s3, s0;
	s1 =	sshll.u32 s1, $0x11  }
0xbc: {  	s0 =	sor.u32 s1, s0  }
0xbd: {  	s0 =	sadd.s32 $0x8F2B, s0  }
0xbe: {  	[sflag:s0] =	ssyncadd.remote.s32 $0x1  }
0xbf: {  	_ =	sfence.sel $0xFFFF  }
0xc0: {  	[dreg:$0x0] =	wrdreg $0xFFFFFFFF;
	(pc) =	sbr.abs _section_cstart, $3  }
0xc1: {  	[dreg:$0x1] =	wrdreg $0xFFFFFFFF  }
0xc2: {  	_ =	task.clear_ibuf [dreg:s6], $0x2FFFF;
	_ =	strace $0x9FFFFFFF  }
0xc3: {  	(tm) =	ssettm $0x7FFFFFFF  }
tec
execute0_lowered:
.L_overlay_start_1:
0x0: {  	(tag) =	ssettag $0x1  }
0x1: {  	s0 =	rddreg [dreg:$0x0]  }
0x2: {  	s2 =	rddreg [dreg:$0x1]  }
0x3: {  	s3 =	rddreg [dreg:$0x2]  }
0x4: {  	s18 =	stileid.u32;
	s1 =	srdreg.scid  }
0x5: {  	s4 =	simm.s32 $0x0;
	s15 =	simm.s32 $0x9000;
	s16 =	simm.s32 $0x5  }
0x6: {  	s28 =	simm.s32 $0x1;
	s29 =	simm.s32 $0x2;
	s30 =	simm.s32 $0x3  }
0x7: {  	s31 =	simm.s32 $0x4;
	s10 =	smul.u32 $0x2800, s18;
	s1 =	sand.u32 $0x1, s1  }
0x8: {  	[smem:$0x7FF] =	sst s4;
	s21 =	smul.u32 $0xA000, s18;
	s26 =	sshll.u32 s18, $0x6  }
0x9: {  	s5 =	sshll.u32 s1, $0x4;
	s7 =	smul.u32 $0x28000, s1;
	_ =	strace $0x8000004D  }
0xa: {  	s1 =	ssub.s32 $0x2, s1;
	s6 =	sshrl.u32 s10, $0x3;
	s5 =	sor.u32 s18, s5  }
0xb: {  	s23 =	sshrl.u32 s1, $0x1;
	s24 =	sshrl.u32 s21, $0x2;
	s17 =	sadd.s32 s10, s3  }
0xc: {  	s25 =	sadd.s32 s10, s2;
	s18 =	sor.u32 $0x1C05, s26;
	s21 =	simm.s32 $0x7800  }
0xd: {  	s8 =	sadd.s32 s6, s0;
	s5 =	smul.u32 $0x500, s5;
	s20 =	sadd.s32 s10, s7  }
0xe: {  	s1 =	ssub.s32 s1, s23;
	s19 =	sshrl.u32 s17, $0x3;
	s25 =	sshrl.u32 s25, $0x3  }
0xf: {  	s17 =	simm.s32 $0x4F00;
	s23 =	simm.s32 $0x4F80;
	s22 =	sshrl.u32 s20, $0x3  }
0x10: {  	s8 =	sadd.s32 $0x66400, s8;
	s10 =	smax.u32 s1, $0x1;
	s20 =	simm.s32 $0x80  }
0x11: {  	s9 =	sadd.s32 s5, s0;
	s0 =	sadd.s32 s22, s0;
	s5 =	sadd.s32 s24, s2  }
0x12: {  	s22 =	simm.s32 $0x8000;
	s24 =	simm.s32 $0x8800;
	s6 =	sadd.s32 $0x2400, s9  }
0x13: {  	s7 =	sadd.s32 $0xC400, s9;
	s9 =	sadd.s32 $0x6B400, s0;
	s11 =	sadd.s32 $0x800, s5  }
0x14: {  	v0 =	vimm.f32 $0.0e+00;
	s12 =	sadd.s32 $0x1000, s5;
	s13 =	sadd.s32 $0x1800, s5;
	s14 =	sadd.s32 $0x2000, s5  }
.LBB2_1:
0x15: {  	s0 =	simm.s32 $0x40;
	s26 =	simm.s32 $0x0  }
.LBB2_2:
0x16: {  	p0 =	sne.s32 s0, $0x1FC0;
	[tilespmem:s26+$0x9000] =	vst v0;
	s26 =	smov.u32 s0;
	s0 =	sadd.s32 $0x40, s0  }
.Ltmp0:
0x17: {  	(pc) =	sbr.rel @p0 .LBB2_2-.Ltmp0, $2  }
0x18: {  	_ =	sdelay $0x2  }
0x19: {  	s26 =	sshra.s32 s26, $0x2  }
0x1a: {  	[tilespmem:s26+$0x9000] =	vst v0  }
0x1b: {  	[spmem:s5] =	stream.linear.scatter [tilespmem:s15], [sflag:$0x5], $0x800, $0x38;
	[tilespmem:$0xC000] =	vst v63  }
0x1c: {  	_ =	swait.ge [sflag:s16], $0x800  }
0x1d: {  	[sflag:s16] =	ssyncset.done $0x0  }
0x1e: {  	[sflag:s16] =	ssyncadd.s32 $0xFFFFF800  }
0x1f: {  	[spmem:s11] =	stream.linear.scatter [tilespmem:s15], [sflag:$0x5], $0x800, $0x38;
	[tilespmem:$0xC000] =	vst v63  }
0x20: {  	_ =	swait.ge [sflag:s16], $0x800  }
0x21: {  	[sflag:s16] =	ssyncset.done $0x0  }
0x22: {  	[sflag:s16] =	ssyncadd.s32 $0xFFFFF800  }
0x23: {  	[spmem:s12] =	stream.linear.scatter [tilespmem:s15], [sflag:$0x5], $0x800, $0x38;
	[tilespmem:$0xC000] =	vst v63  }
0x24: {  	_ =	swait.ge [sflag:s16], $0x800  }
0x25: {  	[sflag:s16] =	ssyncset.done $0x0  }
0x26: {  	[sflag:s16] =	ssyncadd.s32 $0xFFFFF800  }
0x27: {  	[spmem:s13] =	stream.linear.scatter [tilespmem:s15], [sflag:$0x5], $0x800, $0x38;
	[tilespmem:$0xC000] =	vst v63  }
0x28: {  	_ =	swait.ge [sflag:s16], $0x800  }
0x29: {  	[sflag:s16] =	ssyncset.done $0x0  }
0x2a: {  	[sflag:s16] =	ssyncadd.s32 $0xFFFFF800  }
0x2b: {  	[spmem:s14] =	stream.linear.scatter [tilespmem:s15], [sflag:$0x5], $0x800, $0x38;
	[tilespmem:$0xC000] =	vst v63  }
0x2c: {  	_ =	swait.ge [sflag:s16], $0x800  }
0x2d: {  	[sflag:s16] =	ssyncset.done $0x0  }
0x2e: {  	s0 =	simm.s32 $0x0;
	s1 =	simm.s32 $0x2800;
	[sflag:s16] =	ssyncadd.s32 $0xFFFFF800  }
0x2f: {  	[tilespmem:s1], [sflag:$0x5] =	stream.linear.gather [hbm4b:s6+s0], $0x2800, $0x38;
	[tilespmem:$0xC000] =	vst v63  }
0x30: {  	_ =	swait.ge [sflag:s16], $0x2800  }
0x31: {  	[sflag:s16] =	ssyncset.done $0x0  }
0x32: {  	[sflag:s16] =	ssyncadd.s32 $0xFFFFD800  }
0x33: {  	[tilespmem:s0], [sflag:$0x5] =	stream.linear.gather [hbm4b:s7+s0], $0x2800, $0x38;
	[tilespmem:$0xC000] =	vst v63  }
0x34: {  	_ =	swait.ge [sflag:s16], $0x2800  }
0x35: {  	[sflag:s16] =	ssyncset.done $0x0  }
0x36: {  	[sflag:s16] =	ssyncadd.s32 $0xFFFFD800  }
0x37: {  	[spmem:s19], [sflag:s18] =	dma.local [hbm:s8], $0x500  }
0x38: {  	_ =	swait.ge [sflag:s16], $0x500  }
0x39: {  	[sflag:s16] =	ssyncset.done $0x0  }
0x3a: {  	[sflag:s16] =	ssyncadd.s32 $0xFFFFFB00  }
0x3b: {  	[bflag:$0x0] =	sbarrier.arrive $0xFFFF  }
0x3c: {  	[tilespmem:s21], [sflag:$0x1] =	stream.indirect.gather [spmem:s3], $0x10, s0, s20, $0xb8;
	[tilespmem:$0xC000] =	vst v63  }
0x3d: {  	_ = 	snop  }
0x3e: {  	[tilespmem:s22], [sflag:$0x2] =	stream.indirect.gather [spmem:s3], $0x10, s20, s20, $0xb8;
	[tilespmem:$0xC000] =	vst v63  }
0x3f: {  	s26 =	simm.s32 $0x100  }
0x40: {  	[tilespmem:s24], [sflag:$0x3] =	stream.indirect.gather [spmem:s3], $0x10, s26, s20, $0xb8;
	[tilespmem:$0xC000] =	vst v63  }
0x41: {  	s1 =	simm.s32 $0x180  }
0x42: {  	[tilespmem:s15], [sflag:$0x4] =	stream.indirect.gather [spmem:s3], $0x10, s1, s20, $0xb8;
	[tilespmem:$0xC000] =	vst v63  }
0x43: {  	_ =	swait.ge [sflag:s28], $0x800  }
0x44: {  	[sflag:s28] =	ssyncset.done $0x0  }
0x45: {  	s26 =	simm.s32 $0x2800;
	[sflag:s28] =	ssyncadd.s32 $0xFFFFF800  }
0x46: {  	[spmem:s2] =	stream.indirect.scatter.add.f32 [tilespmem:s21], [sflag:$0x5], $0x10, s26, s20, $0xb8;
	[tilespmem:$0xC000] =	vst v63  }
0x47: {  	_ =	swait.ge [sflag:s16], $0x800  }
0x48: {  	[sflag:s16] =	ssyncset.done $0x0  }
0x49: {  	s1 =	simm.s32 $0x200;
	[sflag:s16] =	ssyncadd.s32 $0xFFFFF800  }
0x4a: {  	[tilespmem:s21], [sflag:$0x1] =	stream.indirect.gather [spmem:s3], $0x10, s1, s20, $0xb8;
	[tilespmem:$0xC000] =	vst v63  }
0x4b: {  	_ =	swait.ge [sflag:s29], $0x800  }
0x4c: {  	[sflag:s29] =	ssyncset.done $0x0  }
0x4d: {  	s26 =	simm.s32 $0x2880;
	[sflag:s29] =	ssyncadd.s32 $0xFFFFF800  }
0x4e: {  	[spmem:s2] =	stream.indirect.scatter.add.f32 [tilespmem:s22], [sflag:$0x5], $0x10, s26, s20, $0xb8;
	[tilespmem:$0xC000] =	vst v63  }
0x4f: {  	_ =	swait.ge [sflag:s16], $0x800  }
0x50: {  	[sflag:s16] =	ssyncset.done $0x0  }
0x51: {  	s1 =	simm.s32 $0x280;
	[sflag:s16] =	ssyncadd.s32 $0xFFFFF800  }
0x52: {  	[tilespmem:s22], [sflag:$0x2] =	stream.indirect.gather [spmem:s3], $0x10, s1, s20, $0xb8;
	[tilespmem:$0xC000] =	vst v63  }
0x53: {  	_ =	swait.ge [sflag:s30], $0x800  }
0x54: {  	[sflag:s30] =	ssyncset.done $0x0  }
0x55: {  	s26 =	simm.s32 $0x2900;
	[sflag:s30] =	ssyncadd.s32 $0xFFFFF800  }
0x56: {  	[spmem:s2] =	stream.indirect.scatter.add.f32 [tilespmem:s24], [sflag:$0x5], $0x10, s26, s20, $0xb8;
	[tilespmem:$0xC000] =	vst v63  }
0x57: {  	_ =	swait.ge [sflag:s16], $0x800  }
0x58: {  	[sflag:s16] =	ssyncset.done $0x0  }
0x59: {  	s1 =	simm.s32 $0x300;
	[sflag:s16] =	ssyncadd.s32 $0xFFFFF800  }
0x5a: {  	[tilespmem:s24], [sflag:$0x3] =	stream.indirect.gather [spmem:s3], $0x10, s1, s20, $0xb8;
	[tilespmem:$0xC000] =	vst v63  }
0x5b: {  	_ =	swait.ge [sflag:s31], $0x800  }
0x5c: {  	[sflag:s31] =	ssyncset.done $0x0  }
0x5d: {  	s26 =	simm.s32 $0x2980;
	[sflag:s31] =	ssyncadd.s32 $0xFFFFF800  }
0x5e: {  	[spmem:s2] =	stream.indirect.scatter.add.f32 [tilespmem:s15], [sflag:$0x5], $0x10, s26, s20, $0xb8;
	[tilespmem:$0xC000] =	vst v63  }
0x5f: {  	_ =	swait.ge [sflag:s16], $0x800  }
0x60: {  	[sflag:s16] =	ssyncset.done $0x0  }
0x61: {  	s0 =	simm.s32 $0x380;
	s26 =	simm.s32 $0x800;
	[sflag:s16] =	ssyncadd.s32 $0xFFFFF800  }
.LBB2_4:
0x62: {  	[tilespmem:s15], [sflag:$0x4] =	stream.indirect.gather [spmem:s3], $0x10, s0, s20, $0xb8;
	[tilespmem:$0xC000] =	vst v63  }
0x63: {  	s0 =	smov.u32 s26  }
0x64: {  	p0 =	sne.s32 s26, $0x9000;
	s26 =	sadd.s32 $0x800, s26;
	_ =	swait.ge [sflag:s28], $0x800  }
0x65: {  	s0 =	sshra.s32 s0, $0x2;
	[sflag:s28] =	ssyncset.done $0x0  }
0x66: {  	s1 =	sadd.s32 $0x2800, s0;
	[sflag:s28] =	ssyncadd.s32 $0xFFFFF800  }
0x67: {  	[spmem:s2] =	stream.indirect.scatter.add.f32 [tilespmem:s21], [sflag:$0x5], $0x10, s1, s20, $0xb8;
	[tilespmem:$0xC000] =	vst v63  }
0x68: {  	_ =	swait.ge [sflag:s16], $0x800  }
0x69: {  	[sflag:s16] =	ssyncset.done $0x0  }
0x6a: {  	s1 =	sadd.s32 $0x200, s0;
	[sflag:s16] =	ssyncadd.s32 $0xFFFFF800  }
0x6b: {  	[tilespmem:s21], [sflag:$0x1] =	stream.indirect.gather [spmem:s3], $0x10, s1, s20, $0xb8;
	[tilespmem:$0xC000] =	vst v63  }
0x6c: {  	_ =	swait.ge [sflag:s29], $0x800  }
0x6d: {  	[sflag:s29] =	ssyncset.done $0x0  }
0x6e: {  	s1 =	sadd.s32 $0x2880, s0;
	[sflag:s29] =	ssyncadd.s32 $0xFFFFF800  }
0x6f: {  	[spmem:s2] =	stream.indirect.scatter.add.f32 [tilespmem:s22], [sflag:$0x5], $0x10, s1, s20, $0xb8;
	[tilespmem:$0xC000] =	vst v63  }
0x70: {  	_ =	swait.ge [sflag:s16], $0x800  }
0x71: {  	[sflag:s16] =	ssyncset.done $0x0  }
0x72: {  	s1 =	sadd.s32 $0x280, s0;
	[sflag:s16] =	ssyncadd.s32 $0xFFFFF800  }
0x73: {  	[tilespmem:s22], [sflag:$0x2] =	stream.indirect.gather [spmem:s3], $0x10, s1, s20, $0xb8;
	[tilespmem:$0xC000] =	vst v63  }
0x74: {  	_ =	swait.ge [sflag:s30], $0x800  }
0x75: {  	[sflag:s30] =	ssyncset.done $0x0  }
0x76: {  	s1 =	sadd.s32 $0x2900, s0;
	[sflag:s30] =	ssyncadd.s32 $0xFFFFF800  }
0x77: {  	[spmem:s2] =	stream.indirect.scatter.add.f32 [tilespmem:s24], [sflag:$0x5], $0x10, s1, s20, $0xb8;
	[tilespmem:$0xC000] =	vst v63  }
0x78: {  	_ =	swait.ge [sflag:s16], $0x800  }
0x79: {  	[sflag:s16] =	ssyncset.done $0x0  }
0x7a: {  	s1 =	sadd.s32 $0x300, s0;
	[sflag:s16] =	ssyncadd.s32 $0xFFFFF800  }
0x7b: {  	[tilespmem:s24], [sflag:$0x3] =	stream.indirect.gather [spmem:s3], $0x10, s1, s20, $0xb8;
	[tilespmem:$0xC000] =	vst v63  }
0x7c: {  	_ =	swait.ge [sflag:s31], $0x800  }
0x7d: {  	[sflag:s31] =	ssyncset.done $0x0  }
.Ltmp1:
0x7e: {  	s1 =	sadd.s32 $0x2980, s0;
	[sflag:s31] =	ssyncadd.s32 $0xFFFFF800;
	(pc) =	sbr.rel @p0 .LBB2_4-.Ltmp1, $4  }
0x7f: {  	[spmem:s2] =	stream.indirect.scatter.add.f32 [tilespmem:s15], [sflag:$0x5], $0x10, s1, s20, $0xb8;
	[tilespmem:$0xC000] =	vst v63  }
0x80: {  	_ =	swait.ge [sflag:s16], $0x800  }
0x81: {  	[sflag:s16] =	ssyncset.done $0x0  }
0x82: {  	s0 =	sadd.s32 $0x380, s0;
	[sflag:s16] =	ssyncadd.s32 $0xFFFFF800  }
0x83: {  	[tilespmem:s15], [sflag:$0x4] =	stream.indirect.gather [spmem:s3], $0x10, s0, s20, $0xb8;
	[tilespmem:$0xC000] =	vst v63  }
0x84: {  	_ =	swait.ge [sflag:s28], $0x800  }
0x85: {  	[sflag:s28] =	ssyncset.done $0x0  }
0x86: {  	s1 =	simm.s32 $0x4E00;
	[sflag:s28] =	ssyncadd.s32 $0xFFFFF800  }
0x87: {  	[spmem:s2] =	stream.indirect.scatter.add.f32 [tilespmem:s21], [sflag:$0x5], $0x10, s1, s20, $0xb8;
	[tilespmem:$0xC000] =	vst v63  }
0x88: {  	_ =	swait.ge [sflag:s16], $0x800  }
0x89: {  	[sflag:s16] =	ssyncset.done $0x0  }
0x8a: {  	[sflag:s16] =	ssyncadd.s32 $0xFFFFF800  }
0x8b: {  	_ =	swait.ge [sflag:s29], $0x800  }
0x8c: {  	[sflag:s29] =	ssyncset.done $0x0  }
0x8d: {  	s26 =	simm.s32 $0x4E80;
	[sflag:s29] =	ssyncadd.s32 $0xFFFFF800  }
0x8e: {  	[spmem:s2] =	stream.indirect.scatter.add.f32 [tilespmem:s22], [sflag:$0x5], $0x10, s26, s20, $0xb8;
	[tilespmem:$0xC000] =	vst v63  }
0x8f: {  	_ =	swait.ge [sflag:s16], $0x800  }
0x90: {  	[sflag:s16] =	ssyncset.done $0x0  }
0x91: {  	[sflag:s16] =	ssyncadd.s32 $0xFFFFF800  }
0x92: {  	_ =	swait.ge [sflag:s30], $0x800  }
0x93: {  	[sflag:s30] =	ssyncset.done $0x0  }
0x94: {  	[sflag:s30] =	ssyncadd.s32 $0xFFFFF800  }
0x95: {  	[spmem:s2] =	stream.indirect.scatter.add.f32 [tilespmem:s24], [sflag:$0x5], $0x10, s17, s20, $0xb8;
	[tilespmem:$0xC000] =	vst v63  }
0x96: {  	_ =	swait.ge [sflag:s16], $0x800  }
0x97: {  	[sflag:s16] =	ssyncset.done $0x0  }
0x98: {  	[sflag:s16] =	ssyncadd.s32 $0xFFFFF800  }
0x99: {  	_ =	swait.ge [sflag:s31], $0x800  }
0x9a: {  	[sflag:s31] =	ssyncset.done $0x0  }
0x9b: {  	[sflag:s31] =	ssyncadd.s32 $0xFFFFF800  }
0x9c: {  	[spmem:s2] =	stream.indirect.scatter.add.f32 [tilespmem:s15], [sflag:$0x5], $0x10, s23, s20, $0xb8;
	[tilespmem:$0xC000] =	vst v63  }
0x9d: {  	_ =	swait.ge [sflag:s16], $0x800  }
0x9e: {  	s4 =	sadd.s32 $0x1, s4;
	[sflag:s16] =	ssyncset.done $0x0  }
0x9f: {  	p0 =	sne.s32 s4, s10;
	[sflag:s16] =	ssyncadd.s32 $0xFFFFF800  }
.Ltmp2:
0xa0: {  	[bflag:$0x0] =	sbarrier.arrive $0xFFFF;
	(pc) =	sbr.rel @p0 .LBB2_1-.Ltmp2, $4  }
0xa1: {  	[hbm:s9], [sflag:s18] =	dma.local [spmem:s25], $0x500  }
0xa2: {  	_ =	swait.ge [sflag:s16], $0x500  }
0xa3: {  	[sflag:s16] =	ssyncset.done $0x0  }
0xa4: {  	[sflag:s16] =	ssyncadd.s32 $0xFFFFFB00  }
0xa5: {  	_ =	sfence.sel $0x180000  }
0xa6: {  	[bflag:$0x0] =	sbarrier.arrive $0xFFFF  }
0xa7: {  	_ =	strace $0x9000004D  }
0xa8: {  	s0 =	stileid.u32;
	[bflag:$0x2] =	sbarrier.arrive $0xFFFF  }
0xa9: {  	p0 =	sne.s32 s0, $0x0;
	s0 =	rddreg [dreg:$0x3]  }
0xaa: {  	s0 =	sadd.s32 @!p0 $0x100000, s0  }
0xab: {  	[sflag:s0] =	ssyncadd.tile.s32 @!p0 $0x1;
	_ =	shalt  }
.Lfunc_end2:
_tile_overlayer_lowered:
.L_overlay_start_2:
0xac: {  	(tag) =	ssettag $0x2  }
0xad: {  	s0 =	rddreg [dreg:$0x0];
	s2 =	stileid.u32  }
0xae: {  	s1 =	rddreg [dreg:$0x1];
	p0 =	sne.s32 s2, $0x0  }
0xaf: {  	s3 =	rddreg [dreg:$0x2];
	[bflag:$0x3] =	sbarrier.arrive $0xFFFF;
	s2 =	simm.s32 @!p0 $0x1C05  }
0xb0: {  	[timem:s3], [sflag:s2] =	dma.local @!p0 [hbm:s0], s1  }
0xb1: {  	s0 =	simm.s32 @!p0 $0x5  }
0xb2: {  	_ =	swait.ge @!p0 [sflag:s0], s1  }
0xb3: {  	s1 =	ssub.s32 @!p0 $0x0, s1;
	[sflag:s0] =	ssyncset.done @!p0 $0x0  }
0xb4: {  	[sflag:s0] =	ssyncadd.s32 @!p0 s1  }
0xb5: {  	[bflag:$0x3] =	sbarrier.arrive $0xFFFF  }
0xb6: {  	_ =	shalt  }

// kernel: kernel.8.cloned.1.call-start
scs
__scs_entry_jumppad:
0x0: {  	(pc) =	sbr.rel $0x88, $3  }
0x1: {  	(tag) =	ssettag $0x0;
	lr =	simm.s32 $0x1  }
0x2: {  	[smem:$0x3F9B] =	sst lr;
	_ =	strace $0xD0000000  }
0x3: {  	_ = 	snop  }
0x4: {  	_ = 	snop  }
0x5: {  	_ = 	snop  }
0x6: {  	_ = 	snop  }
0x7: {  	_ = 	snop  }
__scs_overlays_trampoline_lowered:
0x8: {  	[smem:$0x3FAA] =	sst s0  }
0x9: {  	[smem:$0x3FAB] =	sst s1  }
0xa: {  	[smem:$0x3FAC] =	sst s2  }
0xb: {  	[smem:$0x3FAD] =	sst s3  }
0xc: {  	[smem:$0x3FAE] =	sst s4  }
0xd: {  	[smem:$0x3FAF] =	sst s5  }
0xe: {  	[smem:$0x3FB0] =	sst s6  }
0xf: {  	[smem:$0x3FB1] =	sst s7  }
0x10: {  	[smem:$0x3FB2] =	sst s8  }
0x11: {  	[smem:$0x3FB3] =	sst s9;
	s0 =	simm.s32 @!p0 $0x0  }
0x12: {  	s1 =	sld [smem:$0x3F99];
	s0 =	simm.s32 @p0 $0x1  }
0x13: {  	[smem:$0x3FB4] =	sst s0;
	s0 =	simm.s32 @!p1 $0x0  }
0x14: {  	s2 =	sld [smem:$0x3F98];
	s0 =	simm.s32 @p1 $0x1  }
0x15: {  	[smem:$0x3FB5] =	sst s0;
	s0 =	simm.s32 @!p2 $0x0  }
0x16: {  	s3 =	sld [smem:$0x3FDB];
	s0 =	simm.s32 @p2 $0x1  }
0x17: {  	s4 =	simm.s32 $0x1BF5;
	[smem:$0x3FB7] =	sst s0  }
0x18: {  	s0 =	sld [smem:$0x3F9A];
	_ =	swait.ge [sflag:s4], $0x0  }
0x19: {  	s7 =	sld [smem:$0x3F9B]  }
0x1a: {  	s8 =	sadd.s32 $0xFFFFE003, lr  }
0x1b: {  	s9 =	sadd.s32 $0xFFFFFEF7, lr;
	s5 =	simm.s32 $0xFFFFFFFF;
	p2 =	slt.u32 s8, $0xFFFFF086  }
0x1c: {  	p1 =	slt.u32 s9, $0xF7A;
	s5 =	simm.s32 @!p2 $0x0  }
0x1d: {  	s5 =	simm.s32 @p1 $0x1;
	p0 =	seq.s32 s7, s2  }
0x1e: {  	s7 =	smul.u32 @!p0 $0xF7A, s2;
	p2 =	seq.s32 @!p0 s5, $0x0  }
0x1f: {  	s9 =	smul.u32 $0xF7A, s1;
	s8 =	simm.s32 @!p0 $0x1BF5;
	p2 =	por !p2, p0  }
0x20: {  	[sflag:s8] =	ssyncset.s32 @!p0 $0xFFFFF086;
	s6 =	sadd.s32 @!p0 s3, s7;
	s7 =	simm.s32 @!p0 $0x108  }
0x21: {  	s3 =	sadd.s32 s3, s9;
	s6 =	sadd.s32 @!p0 $0x88, s6;
	s7 =	simm.s32 @p2 $0x1082  }
0x22: {  	[simem:s7], [sflag:s8] =	dma.local @!p0 [hbm:s6], $0xF7A  }
0x23: {  	s9 =	sor.u32 $0xD0000000, s2;
	s6 =	simm.s32 $0x108;
	_ =	swait.ge @!p0 [sflag:s8], $0x0  }
0x24: {  	s3 =	sadd.s32 $0x88, s3;
	s6 =	simm.s32 @!p1 $0x1082;
	[sflag:s4] =	ssyncset.s32 $0xFFFFF086  }
0x25: {  	[simem:s6], [sflag:s4] =	dma.local [hbm:s3], $0xF7A  }
0x26: {  	[smem:$0x3F9B] =	sst s1;
	(tag) =	ssettag s2;
	_ =	strace s9  }
0x27: {  	s1 =	sld [smem:$0x3FAB]  }
0x28: {  	s2 =	sld [smem:$0x3FAC]  }
0x29: {  	s4 =	sld [smem:$0x3FAE]  }
0x2a: {  	p0 =	seq.s32 s5, $0x0;
	s5 =	sld [smem:$0x3FAF]  }
0x2b: {  	s6 =	sld [smem:$0x3FB0]  }
0x2c: {  	s7 =	sld [smem:$0x3FB1]  }
0x2d: {  	s3 =	simm.s32 $0x108;
	s8 =	sld [smem:$0x3FB2]  }
0x2e: {  	s3 =	simm.s32 @!p0 $0x1082;
	s9 =	sld [smem:$0x3FB3]  }
0x2f: {  	lr =	sadd.s32 s0, s3;
	s0 =	sld [smem:$0x3FAA]  }
0x30: {  	s3 =	sld [smem:$0x3FAD]  }
0x31: {  	[smem:$0x3FB6] =	sst s10  }
0x32: {  	s10 =	sld [smem:$0x3FB4];
	_ =	sdelay $0x3  }
0x33: {  	p0 =	seq.s32 s10, $0x1;
	s10 =	sld [smem:$0x3FB6];
	_ =	sdelay $0x3  }
0x34: {  	[smem:$0x3FB6] =	sst s10  }
0x35: {  	s10 =	sld [smem:$0x3FB5];
	_ =	sdelay $0x3  }
0x36: {  	p1 =	seq.s32 s10, $0x1;
	s10 =	sld [smem:$0x3FB6];
	_ =	sdelay $0x3  }
0x37: {  	[smem:$0x3FB6] =	sst s10  }
0x38: {  	s10 =	sld [smem:$0x3FB7]  }
0x39: {  	_ = 	snop;
	(pc) =	sbr.ind lr, $3  }
0x3a: {  	_ = 	snop  }
0x3b: {  	_ = 	snop  }
0x3c: {  	p2 =	seq.s32 s10, $0x1;
	s10 =	sld [smem:$0x3FB6]  }
0x3d: {  	_ =	shalt  }
0x3e: {  	_ =	shalt  }
0x3f: {  	_ =	shalt  }
0x40: {  	_ =	shalt  }
0x41: {  	_ =	shalt  }
0x42: {  	_ =	shalt  }
0x43: {  	_ =	shalt  }
0x44: {  	_ =	shalt  }
0x45: {  	_ =	shalt  }
0x46: {  	_ =	shalt  }
0x47: {  	_ =	shalt  }
0x48: {  	_ =	shalt  }
0x49: {  	_ =	shalt  }
0x4a: {  	_ =	shalt  }
0x4b: {  	_ =	shalt  }
0x4c: {  	_ =	shalt  }
0x4d: {  	_ =	shalt  }
0x4e: {  	_ =	shalt  }
0x4f: {  	_ =	shalt  }
0x50: {  	_ =	shalt  }
0x51: {  	_ =	shalt  }
0x52: {  	_ =	shalt  }
0x53: {  	_ =	shalt  }
0x54: {  	_ =	shalt  }
0x55: {  	_ =	shalt  }
0x56: {  	_ =	shalt  }
0x57: {  	_ =	shalt  }
0x58: {  	_ =	shalt  }
0x59: {  	_ =	shalt  }
0x5a: {  	_ =	shalt  }
0x5b: {  	_ =	shalt  }
0x5c: {  	_ =	shalt  }
0x5d: {  	_ =	shalt  }
0x5e: {  	_ =	shalt  }
0x5f: {  	_ =	shalt  }
0x60: {  	_ =	shalt  }
0x61: {  	_ =	shalt  }
0x62: {  	_ =	shalt  }
0x63: {  	_ =	shalt  }
0x64: {  	_ =	shalt  }
0x65: {  	_ =	shalt  }
0x66: {  	_ =	shalt  }
0x67: {  	_ =	shalt  }
0x68: {  	_ =	shalt  }
0x69: {  	_ =	shalt  }
0x6a: {  	_ =	shalt  }
0x6b: {  	_ =	shalt  }
0x6c: {  	_ =	shalt  }
0x6d: {  	_ =	shalt  }
0x6e: {  	_ =	shalt  }
0x6f: {  	_ =	shalt  }
0x70: {  	_ =	shalt  }
0x71: {  	_ =	shalt  }
0x72: {  	_ =	shalt  }
0x73: {  	_ =	shalt  }
0x74: {  	_ =	shalt  }
0x75: {  	_ =	shalt  }
0x76: {  	_ =	shalt  }
0x77: {  	_ =	shalt  }
0x78: {  	_ =	shalt  }
0x79: {  	_ =	shalt  }
0x7a: {  	_ =	shalt  }
0x7b: {  	_ =	shalt  }
0x7c: {  	_ =	shalt  }
0x7d: {  	_ =	shalt  }
0x7e: {  	_ =	shalt  }
0x7f: {  	_ =	shalt  }
0x80: {  	_ =	shalt  }
0x81: {  	_ =	shalt  }
0x82: {  	_ =	shalt  }
0x83: {  	_ =	shalt  }
0x84: {  	_ =	shalt  }
0x85: {  	_ =	shalt  }
0x86: {  	_ =	shalt  }
0x87: {  	_ =	shalt  }
.Lfunc_end0:
.L_simem_size_0:
called_computation_lowered:
.L_overlay_start_0:
0x88: {  	s2 =	sld [smem:$0x3FD9]  }
0x89: {  	s3 =	sld [smem:$0x3FFE];
	_ =	sdelay $0x1  }
0x8a: {  	s1 =	srdreg.scid  }
0x8b: {  	s0 =	sand.u32 $0x1, s1  }
0x8c: {  	s16 =	sshll.u32 s0, $0xA;
	s2 =	sadd.s32 s3, s2  }
0x8d: {  	s2 =	sadd.s32 s2, s16  }
0x8e: {  	[smem:$0x3FC2] =	sst s2  }
0x8f: {  	_ = 	snop  }
0x90: {  	(tm) =	ssettm $0x1  }
0x91: {  	s17 =	sld [smem:$0x3FFB];
	_ =	sdelay $0x3  }
0x92: {  	_ =	strace s17  }
0x93: {  	s2 =	sld [smem:$0x3FFC];
	_ =	sdelay $0x3  }
0x94: {  	_ =	strace s2  }
0x95: {  	s2 =	sld [smem:$0x3FFD];
	_ =	sdelay $0x3  }
0x96: {  	_ =	strace s2  }
0x97: {  	_ =	strace $0x8FFFFFFF  }
0x98: {  	s18 =	sld [smem:$0x3FDB];
	_ =	sdelay $0x1  }
0x99: {  	s19 =	simm.s32 $_scs_section_size  }
0x9a: {  	s4 =	simm.s32 $_size__tile_overlayer_lowered;
	s5 =	simm.s32 $_tile_overlayer_lowered  }
0x9b: {  	s22 =	simm.s32 $0x1BFF;
	s21 =	sshll.u32 s5, $0x1;
	s2 =	sadd.s32 s19, s18  }
0x9c: {  	s6 =	simm.s32 $0x0;
	s20 =	sshll.u32 s4, $0x1;
	s4 =	sadd.s32 s21, s2  }
0x9d: {  	[timem:s6], [sflag:s22] =	dma.local [hbm:s4], s20  }
0x9e: {  	_ =	swait.ge [sflag:s22], s20  }
0x9f: {  	s3 =	ssub.s32 $0x0, s20;
	[sflag:s22] =	ssyncset.done $0x0  }
0xa0: {  	[sflag:s22] =	ssyncadd.s32 s3;
	_ =	sdelay $0x1  }
0xa1: {  	s23 =	simm.s32 $0x1B8B  }
0xa2: {  	_ =	swait.ge [sflag:s23], $0x1  }
0xa3: {  	[sflag:s23] =	ssyncset.done $0x0  }
0xa4: {  	s25 =	simm.s32 $0x1B8E;
	s24 =	sld [smem:$0x3FFE];
	[sflag:s23] =	ssyncadd.s32 $0xFFFFFFFF  }
0xa5: {  	s26 =	simm.s32 $execute0_lowered;
	[smem:$0x3FD2] =	sst s25  }
0xa6: {  	s4 =	sshll.u32 s26, $0x1;
	_ =	strace $0x80000046;
	[dreg:$0x1] =	wrdreg $0xFFFFFFFF  }
0xa7: {  	s28 =	simm.s32 $_size_execute0_lowered;
	s2 =	sadd.s32 s2, s4;
	[dreg:$0x0] =	wrdreg $0x0  }
0xa8: {  	s4 =	sshll.u32 s28, $0x1;
	[dreg:$0x2] =	wrdreg s2  }
0xa9: {  	[dreg:$0x3] =	wrdreg s4  }
0xaa: {  	[dreg:$0x4] =	wrdreg $0xC0  }
0xab: {  	_ =	task [dreg:s6], $0x5FFFF  }
0xac: {  	[dreg:$0x1] =	wrdreg $0xFFFFFFFF  }
0xad: {  	[dreg:$0x0] =	wrdreg $0x60  }
0xae: {  	[dreg:$0x2] =	wrdreg s24  }
0xaf: {  	[dreg:$0x3] =	wrdreg $0x28000  }
0xb0: {  	[dreg:$0x4] =	wrdreg $0x9  }
0xb1: {  	_ =	task.clear_ibuf [dreg:s6], $0x5FFFF;
	_ =	strace $0x90000046  }
0xb2: {  	s29 =	simm.s32 $0x9;
	_ =	strace $0x80000048  }
0xb3: {  	_ =	swait.ge [sflag:s29], $0x1  }
0xb4: {  	[sflag:s29] =	ssyncadd.s32 $0xFFFFFFFF  }
0xb5: {  	_ =	strace $0x90000048  }
0xb6: {  	_ =	sfence  }
0xb7: {  	s30 =	sld [smem:$0x0];
	_ =	sdelay $0x2  }
0xb8: {  	s31 =	sshll.u32 s1, $0xD;
	s1 =	sshrl.u32 s1, $0x2  }
0xb9: {  	s3 =	sand.u32 $0x4000, s31;
	s1 =	sadd.s32 s1, s30  }
0xba: {  	s0 =	sor.u32 s3, s0;
	s1 =	sshll.u32 s1, $0x11  }
0xbb: {  	s0 =	sor.u32 s1, s0  }
0xbc: {  	s0 =	sadd.s32 $0x8F2B, s0  }
0xbd: {  	[sflag:s0] =	ssyncadd.remote.s32 $0x1  }
0xbe: {  	_ =	sfence.sel $0xFFFF  }
0xbf: {  	[dreg:$0x0] =	wrdreg $0xFFFFFFFF;
	(pc) =	sbr.abs _section_cstart, $3  }
0xc0: {  	[dreg:$0x1] =	wrdreg $0xFFFFFFFF  }
0xc1: {  	_ =	task.clear_ibuf [dreg:s6], $0x2FFFF;
	_ =	strace $0x9FFFFFFF  }
0xc2: {  	(tm) =	ssettm $0x7FFFFFFF  }
0xc3: {  	_ =	shalt  }
tec
execute0_lowered:
.L_overlay_start_1:
0x0: {  	(tag) =	ssettag $0x1  }
0x1: {  	s5 =	rddreg [dreg:$0x0]  }
0x2: {  	s0 =	srdreg.scid;
	s2 =	rddreg [dreg:$0x1]  }
0x3: {  	s3 =	simm.s32 $0x0;
	s12 =	simm.s32 $0x5000;
	s4 =	sand.u32 $0x1, s0  }
0x4: {  	s13 =	simm.s32 $0x2;
	s0 =	stileid.u32;
	s7 =	smul.u32 $0x28000, s4  }
0x5: {  	s14 =	simm.s32 $0x80;
	s15 =	simm.s32 $0x1;
	s8 =	smul.u32 $0x2800, s0  }
0x6: {  	[smem:$0x7FF] =	sst s3;
	s1 =	sshll.u32 s4, $0x4;
	s9 =	smul.u32 $0xA000, s0  }
0x7: {  	s4 =	ssub.s32 $0x2, s4;
	s16 =	sshll.u32 s0, $0x6;
	s1 =	sor.u32 s0, s1  }
0x8: {  	s10 =	sshrl.u32 s4, $0x1;
	s16 =	sor.u32 $0x1C02, s16;
	s6 =	smul.u32 $0x500, s1  }
0x9: {  	s1 =	rddreg [dreg:$0x2];
	_ =	strace $0x80000047;
	s7 =	sadd.s32 s8, s7  }
0xa: {  	s9 =	sshrl.u32 s9, $0x2;
	s10 =	ssub.s32 s4, s10;
	s17 =	sadd.s32 s8, s2  }
0xb: {  	s7 =	sshrl.u32 s7, $0x3;
	s4 =	sadd.s32 s9, s2;
	s17 =	sshrl.u32 s17, $0x3  }
0xc: {  	s6 =	sadd.s32 s6, s5;
	s7 =	sadd.s32 s7, s5;
	s8 =	sadd.s32 $0x800, s4  }
0xd: {  	v0 =	vimm.f32 $0.0e+00;
	vm0 =	vcmask $0x300;
	s9 =	sadd.s32 $0x1000, s4;
	s11 =	sadd.s32 $0x2000, s4;
	s5 =	sadd.s32 $0x2400, s6  }
0xe: {  	v1 =	vsel vm0, $0x3F800000, v0;
	s6 =	sadd.s32 $0x16400, s7;
	s7 =	smax.u32 s10, $0x1;
	s10 =	sadd.s32 $0x1800, s4  }
.LBB2_1:
0xf: {  	s18 =	simm.s32 $0x40;
	s19 =	simm.s32 $0x0  }
.LBB2_2:
0x10: {  	p0 =	sne.s32 s18, $0x1FC0;
	[tilespmem:s19+$0x5000] =	vst v0;
	s19 =	smov.u32 s18;
	s18 =	sadd.s32 $0x40, s18  }
.Ltmp0:
0x11: {  	(pc) =	sbr.rel @p0 .LBB2_2-.Ltmp0, $2  }
0x12: {  	_ =	sdelay $0x2  }
0x13: {  	s19 =	sshra.s32 s19, $0x2  }
0x14: {  	[tilespmem:s19+$0x5000] =	vst v0  }
0x15: {  	[spmem:s4] =	stream.linear.scatter [tilespmem:s12], [sflag:$0x2], $0x800, $0x38;
	[tilespmem:$0x5800] =	vst v63  }
0x16: {  	_ =	swait.ge [sflag:s13], $0x800  }
0x17: {  	[sflag:s13] =	ssyncset.done $0x0  }
0x18: {  	[sflag:s13] =	ssyncadd.s32 $0xFFFFF800  }
0x19: {  	[spmem:s8] =	stream.linear.scatter [tilespmem:s12], [sflag:$0x2], $0x800, $0x38;
	[tilespmem:$0x5800] =	vst v63  }
0x1a: {  	_ =	swait.ge [sflag:s13], $0x800  }
0x1b: {  	[sflag:s13] =	ssyncset.done $0x0  }
0x1c: {  	[sflag:s13] =	ssyncadd.s32 $0xFFFFF800  }
0x1d: {  	[spmem:s9] =	stream.linear.scatter [tilespmem:s12], [sflag:$0x2], $0x800, $0x38;
	[tilespmem:$0x5800] =	vst v63  }
0x1e: {  	_ =	swait.ge [sflag:s13], $0x800  }
0x1f: {  	[sflag:s13] =	ssyncset.done $0x0  }
0x20: {  	[sflag:s13] =	ssyncadd.s32 $0xFFFFF800  }
0x21: {  	[spmem:s10] =	stream.linear.scatter [tilespmem:s12], [sflag:$0x2], $0x800, $0x38;
	[tilespmem:$0x5800] =	vst v63  }
0x22: {  	_ =	swait.ge [sflag:s13], $0x800  }
0x23: {  	[sflag:s13] =	ssyncset.done $0x0  }
0x24: {  	[sflag:s13] =	ssyncadd.s32 $0xFFFFF800  }
0x25: {  	[spmem:s11] =	stream.linear.scatter [tilespmem:s12], [sflag:$0x2], $0x800, $0x38;
	[tilespmem:$0x5800] =	vst v63  }
0x26: {  	_ =	swait.ge [sflag:s13], $0x800  }
0x27: {  	[sflag:s13] =	ssyncset.done $0x0  }
0x28: {  	s18 =	simm.s32 $0x0;
	[sflag:s13] =	ssyncadd.s32 $0xFFFFF800  }
0x29: {  	[tilespmem:s18], [sflag:$0x2] =	stream.linear.gather [hbm4b:s5+s18], $0x2800, $0x38;
	[tilespmem:$0x5800] =	vst v63  }
0x2a: {  	_ =	swait.ge [sflag:s13], $0x2800  }
0x2b: {  	[sflag:s13] =	ssyncset.done $0x0  }
0x2c: {  	[sflag:s13] =	ssyncadd.s32 $0xFFFFD800  }
0x2d: {  	s19 =	simm.s32 $0x0;
	s18 =	simm.s32 $0x40;
	[bflag:$0x0] =	sbarrier.arrive $0xFFFF  }
.LBB2_4:
0x2e: {  	p0 =	sne.s32 s18, $0x1FC0;
	[tilespmem:s19+$0x5000] =	vst v1;
	s19 =	smov.u32 s18;
	s18 =	sadd.s32 $0x40, s18  }
.Ltmp1:
0x2f: {  	(pc) =	sbr.rel @p0 .LBB2_4-.Ltmp1, $2  }
0x30: {  	_ =	sdelay $0x2  }
0x31: {  	s19 =	sshra.s32 s19, $0x2  }
0x32: {  	[tilespmem:s19+$0x5000] =	vst v1;
	s18 =	simm.s32 $0x0  }
0x33: {  	[spmem:s2] =	stream.indirect.scatter.add.f32 [tilespmem:s12], [sflag:$0x1], $0x10, s18, s14, $0xb8;
	[tilespmem:$0x5800] =	vst v63  }
0x34: {  	s24 =	simm.s32 $0x80  }
0x35: {  	[spmem:s2] =	stream.indirect.scatter.add.f32 [tilespmem:s12], [sflag:$0x1], $0x10, s24, s14, $0xb8;
	[tilespmem:$0x5800] =	vst v63  }
0x36: {  	s25 =	simm.s32 $0x100  }
0x37: {  	[spmem:s2] =	stream.indirect.scatter.add.f32 [tilespmem:s12], [sflag:$0x1], $0x10, s25, s14, $0xb8;
	[tilespmem:$0x5800] =	vst v63  }
0x38: {  	s26 =	simm.s32 $0x180  }
0x39: {  	[spmem:s2] =	stream.indirect.scatter.add.f32 [tilespmem:s12], [sflag:$0x1], $0x10, s26, s14, $0xb8;
	[tilespmem:$0x5800] =	vst v63  }
0x3a: {  	s28 =	simm.s32 $0x200  }
0x3b: {  	[spmem:s2] =	stream.indirect.scatter.add.f32 [tilespmem:s12], [sflag:$0x1], $0x10, s28, s14, $0xb8;
	[tilespmem:$0x5800] =	vst v63  }
0x3c: {  	s29 =	simm.s32 $0x280  }
0x3d: {  	[spmem:s2] =	stream.indirect.scatter.add.f32 [tilespmem:s12], [sflag:$0x1], $0x10, s29, s14, $0xb8;
	[tilespmem:$0x5800] =	vst v63  }
0x3e: {  	s30 =	simm.s32 $0x300  }
0x3f: {  	[spmem:s2] =	stream.indirect.scatter.add.f32 [tilespmem:s12], [sflag:$0x1], $0x10, s30, s14, $0xb8;
	[tilespmem:$0x5800] =	vst v63  }
0x40: {  	s31 =	simm.s32 $0x380  }
0x41: {  	[spmem:s2] =	stream.indirect.scatter.add.f32 [tilespmem:s12], [sflag:$0x1], $0x10, s31, s14, $0xb8;
	[tilespmem:$0x5800] =	vst v63  }
0x42: {  	_ =	swait.ge [sflag:s15], $0x800  }
0x43: {  	[sflag:s15] =	ssyncset.done $0x0  }
0x44: {  	[sflag:s15] =	ssyncadd.s32 $0xFFFFF800  }
0x45: {  	_ =	swait.ge [sflag:s15], $0x800  }
0x46: {  	[sflag:s15] =	ssyncset.done $0x0  }
0x47: {  	[sflag:s15] =	ssyncadd.s32 $0xFFFFF800  }
0x48: {  	_ =	swait.ge [sflag:s15], $0x800  }
0x49: {  	[sflag:s15] =	ssyncset.done $0x0  }
0x4a: {  	[sflag:s15] =	ssyncadd.s32 $0xFFFFF800  }
0x4b: {  	_ =	swait.ge [sflag:s15], $0x800  }
0x4c: {  	[sflag:s15] =	ssyncset.done $0x0  }
0x4d: {  	[sflag:s15] =	ssyncadd.s32 $0xFFFFF800  }
0x4e: {  	_ =	swait.ge [sflag:s15], $0x800  }
0x4f: {  	[sflag:s15] =	ssyncset.done $0x0  }
0x50: {  	[sflag:s15] =	ssyncadd.s32 $0xFFFFF800  }
0x51: {  	_ =	swait.ge [sflag:s15], $0x800  }
0x52: {  	[sflag:s15] =	ssyncset.done $0x0  }
0x53: {  	[sflag:s15] =	ssyncadd.s32 $0xFFFFF800  }
0x54: {  	_ =	swait.ge [sflag:s15], $0x800  }
0x55: {  	[sflag:s15] =	ssyncset.done $0x0  }
0x56: {  	[sflag:s15] =	ssyncadd.s32 $0xFFFFF800  }
0x57: {  	_ =	swait.ge [sflag:s15], $0x800  }
0x58: {  	s20 =	simm.s32 $0x2000;
	s18 =	simm.s32 $0x1000;
	[sflag:s15] =	ssyncset.done $0x0  }
.LBB2_6:
0x59: {  	s21 =	sshra.s32 s18, $0x2  }
0x5a: {  	[sflag:s15] =	ssyncadd.s32 $0xFFFFF800;
	s18 =	smov.u32 s20;
	s19 =	sadd.s32 $0x1000, s20  }
0x5b: {  	[spmem:s2] =	stream.indirect.scatter.add.f32 [tilespmem:s12], [sflag:$0x1], $0x10, s21, s14, $0xb8;
	[tilespmem:$0x5800] =	vst v63  }
0x5c: {  	p0 =	sne.s32 s20, $0x9000;
	s20 =	sadd.s32 $0x80, s21  }
0x5d: {  	[spmem:s2] =	stream.indirect.scatter.add.f32 [tilespmem:s12], [sflag:$0x1], $0x10, s20, s14, $0xb8;
	[tilespmem:$0x5800] =	vst v63  }
0x5e: {  	s20 =	sadd.s32 $0x100, s21  }
0x5f: {  	[spmem:s2] =	stream.indirect.scatter.add.f32 [tilespmem:s12], [sflag:$0x1], $0x10, s20, s14, $0xb8;
	[tilespmem:$0x5800] =	vst v63  }
0x60: {  	s20 =	sadd.s32 $0x180, s21  }
0x61: {  	[spmem:s2] =	stream.indirect.scatter.add.f32 [tilespmem:s12], [sflag:$0x1], $0x10, s20, s14, $0xb8;
	[tilespmem:$0x5800] =	vst v63  }
0x62: {  	s20 =	sadd.s32 $0x200, s21  }
0x63: {  	[spmem:s2] =	stream.indirect.scatter.add.f32 [tilespmem:s12], [sflag:$0x1], $0x10, s20, s14, $0xb8;
	[tilespmem:$0x5800] =	vst v63  }
0x64: {  	s20 =	sadd.s32 $0x280, s21  }
0x65: {  	[spmem:s2] =	stream.indirect.scatter.add.f32 [tilespmem:s12], [sflag:$0x1], $0x10, s20, s14, $0xb8;
	[tilespmem:$0x5800] =	vst v63  }
0x66: {  	s20 =	sadd.s32 $0x300, s21  }
0x67: {  	[spmem:s2] =	stream.indirect.scatter.add.f32 [tilespmem:s12], [sflag:$0x1], $0x10, s20, s14, $0xb8;
	[tilespmem:$0x5800] =	vst v63  }
0x68: {  	s20 =	sadd.s32 $0x380, s21  }
0x69: {  	[spmem:s2] =	stream.indirect.scatter.add.f32 [tilespmem:s12], [sflag:$0x1], $0x10, s20, s14, $0xb8;
	[tilespmem:$0x5800] =	vst v63  }
0x6a: {  	_ =	swait.ge [sflag:s15], $0x800  }
0x6b: {  	[sflag:s15] =	ssyncset.done $0x0  }
0x6c: {  	[sflag:s15] =	ssyncadd.s32 $0xFFFFF800  }
0x6d: {  	_ =	swait.ge [sflag:s15], $0x800  }
0x6e: {  	[sflag:s15] =	ssyncset.done $0x0  }
0x6f: {  	[sflag:s15] =	ssyncadd.s32 $0xFFFFF800  }
0x70: {  	_ =	swait.ge [sflag:s15], $0x800  }
0x71: {  	[sflag:s15] =	ssyncset.done $0x0  }
0x72: {  	[sflag:s15] =	ssyncadd.s32 $0xFFFFF800  }
0x73: {  	_ =	swait.ge [sflag:s15], $0x800  }
0x74: {  	[sflag:s15] =	ssyncset.done $0x0  }
0x75: {  	[sflag:s15] =	ssyncadd.s32 $0xFFFFF800  }
0x76: {  	_ =	swait.ge [sflag:s15], $0x800  }
0x77: {  	[sflag:s15] =	ssyncset.done $0x0  }
0x78: {  	[sflag:s15] =	ssyncadd.s32 $0xFFFFF800  }
0x79: {  	_ =	swait.ge [sflag:s15], $0x800  }
0x7a: {  	[sflag:s15] =	ssyncset.done $0x0  }
0x7b: {  	[sflag:s15] =	ssyncadd.s32 $0xFFFFF800  }
.Ltmp2:
0x7c: {  	_ =	swait.ge [sflag:s15], $0x800;
	(pc) =	sbr.rel @p0 .LBB2_6-.Ltmp2, $4  }
0x7d: {  	[sflag:s15] =	ssyncset.done $0x0  }
0x7e: {  	[sflag:s15] =	ssyncadd.s32 $0xFFFFF800  }
0x7f: {  	_ =	swait.ge [sflag:s15], $0x800  }
0x80: {  	s20 =	smov.u32 s19;
	[sflag:s15] =	ssyncset.done $0x0  }
0x81: {  	s18 =	sshra.s32 s18, $0x2;
	[sflag:s15] =	ssyncadd.s32 $0xFFFFF800  }
0x82: {  	[spmem:s2] =	stream.indirect.scatter.add.f32 [tilespmem:s12], [sflag:$0x1], $0x10, s18, s14, $0xb8;
	[tilespmem:$0x5800] =	vst v63  }
0x83: {  	s19 =	sadd.s32 $0x80, s18  }
0x84: {  	[spmem:s2] =	stream.indirect.scatter.add.f32 [tilespmem:s12], [sflag:$0x1], $0x10, s19, s14, $0xb8;
	[tilespmem:$0x5800] =	vst v63  }
0x85: {  	s26 =	sadd.s32 $0x100, s18  }
0x86: {  	[spmem:s2] =	stream.indirect.scatter.add.f32 [tilespmem:s12], [sflag:$0x1], $0x10, s26, s14, $0xb8;
	[tilespmem:$0x5800] =	vst v63  }
0x87: {  	s28 =	sadd.s32 $0x180, s18  }
0x88: {  	[spmem:s2] =	stream.indirect.scatter.add.f32 [tilespmem:s12], [sflag:$0x1], $0x10, s28, s14, $0xb8;
	[tilespmem:$0x5800] =	vst v63  }
0x89: {  	s29 =	sadd.s32 $0x200, s18  }
0x8a: {  	[spmem:s2] =	stream.indirect.scatter.add.f32 [tilespmem:s12], [sflag:$0x1], $0x10, s29, s14, $0xb8;
	[tilespmem:$0x5800] =	vst v63  }
0x8b: {  	s30 =	sadd.s32 $0x280, s18  }
0x8c: {  	[spmem:s2] =	stream.indirect.scatter.add.f32 [tilespmem:s12], [sflag:$0x1], $0x10, s30, s14, $0xb8;
	[tilespmem:$0x5800] =	vst v63  }
0x8d: {  	s31 =	sadd.s32 $0x300, s18  }
0x8e: {  	[spmem:s2] =	stream.indirect.scatter.add.f32 [tilespmem:s12], [sflag:$0x1], $0x10, s31, s14, $0xb8;
	[tilespmem:$0x5800] =	vst v63  }
0x8f: {  	s18 =	sadd.s32 $0x380, s18  }
0x90: {  	[spmem:s2] =	stream.indirect.scatter.add.f32 [tilespmem:s12], [sflag:$0x1], $0x10, s18, s14, $0xb8;
	[tilespmem:$0x5800] =	vst v63  }
0x91: {  	_ =	swait.ge [sflag:s15], $0x800  }
0x92: {  	[sflag:s15] =	ssyncset.done $0x0  }
0x93: {  	[sflag:s15] =	ssyncadd.s32 $0xFFFFF800  }
0x94: {  	_ =	swait.ge [sflag:s15], $0x800  }
0x95: {  	[sflag:s15] =	ssyncset.done $0x0  }
0x96: {  	[sflag:s15] =	ssyncadd.s32 $0xFFFFF800  }
0x97: {  	_ =	swait.ge [sflag:s15], $0x800  }
0x98: {  	[sflag:s15] =	ssyncset.done $0x0  }
0x99: {  	[sflag:s15] =	ssyncadd.s32 $0xFFFFF800  }
0x9a: {  	_ =	swait.ge [sflag:s15], $0x800  }
0x9b: {  	[sflag:s15] =	ssyncset.done $0x0  }
0x9c: {  	[sflag:s15] =	ssyncadd.s32 $0xFFFFF800  }
0x9d: {  	_ =	swait.ge [sflag:s15], $0x800  }
0x9e: {  	[sflag:s15] =	ssyncset.done $0x0  }
0x9f: {  	[sflag:s15] =	ssyncadd.s32 $0xFFFFF800  }
0xa0: {  	_ =	swait.ge [sflag:s15], $0x800  }
0xa1: {  	[sflag:s15] =	ssyncset.done $0x0  }
0xa2: {  	[sflag:s15] =	ssyncadd.s32 $0xFFFFF800  }
0xa3: {  	_ =	swait.ge [sflag:s15], $0x800  }
0xa4: {  	[sflag:s15] =	ssyncset.done $0x0  }
0xa5: {  	[sflag:s15] =	ssyncadd.s32 $0xFFFFF800  }
0xa6: {  	_ =	swait.ge [sflag:s15], $0x800  }
0xa7: {  	s3 =	sadd.s32 $0x1, s3;
	[sflag:s15] =	ssyncset.done $0x0  }
0xa8: {  	p0 =	sne.s32 s3, s7;
	[sflag:s15] =	ssyncadd.s32 $0xFFFFF800  }
.Ltmp3:
0xa9: {  	[bflag:$0x0] =	sbarrier.arrive $0xFFFF;
	(pc) =	sbr.rel @p0 .LBB2_1-.Ltmp3, $4  }
0xaa: {  	[hbm:s6], [sflag:s16] =	dma.local [spmem:s17], $0x500  }
0xab: {  	_ =	swait.ge [sflag:s13], $0x500  }
0xac: {  	[sflag:s13] =	ssyncset.done $0x0  }
0xad: {  	[sflag:s13] =	ssyncadd.s32 $0xFFFFFB00  }
0xae: {  	_ =	sfence.sel $0x180000  }
0xaf: {  	[bflag:$0x0] =	sbarrier.arrive $0xFFFF  }
0xb0: {  	p0 =	sne.s32 s0, $0x0;
	_ =	strace $0x90000047  }
0xb1: {  	s0 =	sadd.s32 @!p0 $0x100000, s1;
	[bflag:$0x2] =	sbarrier.arrive $0xFFFF  }
0xb2: {  	[sflag:s0] =	ssyncadd.tile.s32 @!p0 $0x1;
	_ =	shalt  }
.Lfunc_end2:
_tile_overlayer_lowered:
.L_overlay_start_2:
0xb3: {  	(tag) =	ssettag $0x2  }
0xb4: {  	s0 =	rddreg [dreg:$0x0];
	s2 =	stileid.u32  }
0xb5: {  	s1 =	rddreg [dreg:$0x1];
	p0 =	sne.s32 s2, $0x0  }
0xb6: {  	s3 =	rddreg [dreg:$0x2];
	[bflag:$0x3] =	sbarrier.arrive $0xFFFF;
	s2 =	simm.s32 @!p0 $0x1C02  }
0xb7: {  	[timem:s3], [sflag:s2] =	dma.local @!p0 [hbm:s0], s1  }
0xb8: {  	s0 =	simm.s32 @!p0 $0x2  }
0xb9: {  	_ =	swait.ge @!p0 [sflag:s0], s1  }
0xba: {  	s1 =	ssub.s32 @!p0 $0x0, s1;
	[sflag:s0] =	ssyncset.done @!p0 $0x0  }
0xbb: {  	[sflag:s0] =	ssyncadd.s32 @!p0 s1  }
0xbc: {  	[bflag:$0x3] =	sbarrier.arrive $0xFFFF  }
0xbd: {  	_ =	shalt  }

</sc_bundles>
